<compile_context>
chip_gen: v7x
topology: tpu7x:2x2x1
jax: 0.10.2.dev20260603
libtpu: 0.0.44.dev20260713+nightly
codegen_flags: <defaults>
</compile_context>

<pallas_src>
import functools

import jax
import jax.numpy as jnp
from jax import lax
from jax.experimental import pallas as pl
from jax.experimental.pallas import tpu as pltpu
from jax.experimental.pallas import tpu_sc as plsc

MAXD = 384.0
INTERVAL = 381.0 / 127.0
WD = 0.9
WL = 0.1

BH = 32

NC = 2
NS = 16
NW = NC * NS
LANES = 16


def _tc_body(gt_ref, valid_ref, logits_ref, ce_ref):
    b = pl.program_id(0)
    i = pl.program_id(1)

    @pl.when((b == 0) & (i == 0))
    def _init():
        ce_ref[0] = 0.0

    gt = gt_ref[0]
    vmask = valid_ref[0]
    mask = jnp.where(gt < MAXD, vmask, 0.0)
    labels = jnp.clip(gt, 0.0, 381.0) / INTERVAL

    m = jnp.max(logits_ref[0], axis=0)

    CH = 8
    C = 128
    s = jnp.zeros(m.shape, jnp.float32)
    g = jnp.zeros(m.shape, jnp.float32)
    for j in range(0, C, CH):
        xc = logits_ref[0, j:j + CH]
        s = s + jnp.sum(jnp.exp(xc - m[None]), axis=0)
        cf = (lax.broadcasted_iota(jnp.int32, (CH, 1, 1), 0) + j).astype(jnp.float32)
        w = jnp.maximum(1.0 - jnp.abs(labels[None] - cf), 0.0)
        g = g + jnp.sum(xc * w, axis=0)
    lse = m + jnp.log(s)

    ce_ref[0] += jnp.sum((lse - g) * mask)


def _tc_ce_sum(gt, validf, logits):
    B, C, H, W = logits.shape
    nb = H // BH
    (ce,) = pl.pallas_call(
        _tc_body,
        grid=(B, nb),
        in_specs=[
            pl.BlockSpec((1, BH, W), lambda b, i: (b, i, 0)),
            pl.BlockSpec((1, BH, W), lambda b, i: (b, i, 0)),
            pl.BlockSpec((1, C, BH, W), lambda b, i: (b, 0, i, 0)),
        ],
        out_specs=[pl.BlockSpec(memory_space=pltpu.SMEM)],
        out_shape=[jax.ShapeDtypeStruct((1,), jnp.float32)],
    )(gt, validf, logits)
    return ce[0]


def _make_sc_stats(n_pix):
    ppw = n_pix // NW
    nvec = ppw // LANES
    mesh = plsc.VectorSubcoreMesh(core_axis_name="c", subcore_axis_name="s")

    @functools.partial(
        pl.kernel,
        mesh=mesh,
        out_type=jax.ShapeDtypeStruct((NW, 2, LANES), jnp.float32),
        scratch_types=[
            pltpu.VMEM((ppw,), jnp.float32),
            pltpu.VMEM((ppw,), jnp.float32),
            pltpu.VMEM((ppw,), jnp.float32),
            pltpu.VMEM((2, LANES), jnp.float32),
        ],
    )
    def sc_stats(gt_hbm, pred_hbm, valid_hbm, out_hbm, gt_v, pred_v, valid_v, acc_v):
        wid = lax.axis_index("s") * NC + lax.axis_index("c")
        base = wid * ppw
        pltpu.sync_copy(gt_hbm.at[pl.ds(base, ppw)], gt_v)
        pltpu.sync_copy(pred_hbm.at[pl.ds(base, ppw)], pred_v)
        pltpu.sync_copy(valid_hbm.at[pl.ds(base, ppw)], valid_v)

        def body(i, carry):
            l1a, cnta = carry
            sl = pl.ds(i * LANES, LANES)
            gt = gt_v[sl]
            mask = jnp.where(gt < MAXD, valid_v[sl], 0.0)
            l1a = l1a + mask * jnp.abs(pred_v[sl] - gt)
            cnta = cnta + mask
            return l1a, cnta

        zero = jnp.zeros((LANES,), jnp.float32)
        l1a, cnta = lax.fori_loop(0, nvec, body, (zero, zero))
        acc_v[0] = l1a
        acc_v[1] = cnta
        pltpu.sync_copy(acc_v, out_hbm.at[wid])

    return sc_stats


def kernel(pred_disp, disp_logits, gt_disp, valid):
    B, C, H, W = disp_logits.shape
    pred_disp = pred_disp.astype(jnp.float32)
    gt_disp = gt_disp.astype(jnp.float32)
    validf = valid.astype(jnp.float32)
    logits = disp_logits.astype(jnp.float32)
    n_pix = B * H * W

    sc = _make_sc_stats(n_pix)
    parts = sc(
        gt_disp.reshape(n_pix),
        pred_disp.reshape(n_pix),
        validf.reshape(n_pix),
    )

    ce_sum = _tc_ce_sum(gt_disp, validf, logits)

    sums = jnp.sum(parts, axis=(0, 2))
    l1_sum, cnt = sums[0], sums[1]

    denom = cnt + 1e-6
    loss_disp = l1_sum / denom
    loss_logits = ce_sum / denom
    objective = WD * loss_disp + WL * loss_logits
    return objective, loss_disp, loss_logits

# --- scband reference (transcript-rebuilt; emitter-appended) ---
"""Pipeline reference for scband-disp-loss-1829656068671 (READ-ONLY COPY).

The authoritative reference and input builder live on the scoring server;
editing this copy changes nothing except your own understanding.
"""

import jax, jax.numpy as jnp
import numpy as np

MAX_DISP = 384.0
W_DISP = 0.9
W_LOGITS = 0.1


def setup_inputs(seed: int = 0) -> dict:
    key = jax.random.key(seed)
    k1, k2, k3, k4 = jax.random.split(key, 4)
    B, C, H, W = 2, 128, 384, 384
    pred_disp = jax.random.normal(k1, (B, H, W), dtype=jnp.float32) * 10.0 + 50.0
    disp_logits = jax.random.normal(k2, (B, C, H, W), dtype=jnp.float32)
    gt_disp = jax.random.uniform(k3, (B, H, W), dtype=jnp.float32, minval=0.0, maxval=200.0)
    valid = jax.random.randint(k4, (B, H, W), 0, 2).astype(jnp.bool_)
    return {"pred_disp": pred_disp, "disp_logits": disp_logits, "gt_disp": gt_disp, "valid": valid}


def reference(pred_disp, disp_logits, gt_disp, valid):
    pred_disp = pred_disp.astype(jnp.float32)
    gt_disp = gt_disp.astype(jnp.float32)
    mask = jnp.logical_and(valid, gt_disp < MAX_DISP).astype(jnp.float32)
    denom = mask.sum() + 1e-06

    # disp_loss: masked L1
    error = jnp.abs(pred_disp - gt_disp)
    loss_disp = (error * mask).sum() / denom

    # disp_softmax: soft-label cross entropy over 128 disparity bins
    logits = disp_logits.astype(jnp.float32)
    labels = jnp.clip(gt_disp, 0.0, 381.0)
    interval = 381.0 / 127.0
    labels = labels / interval  # [B,H,W]
    lb = jnp.floor(labels).astype(jnp.int32)
    hb = jnp.minimum(lb + 1, 127)
    wh = labels - lb.astype(jnp.float32)
    oh_lb = jax.nn.one_hot(lb, 128, dtype=jnp.float32)  # [B,H,W,128]
    oh_hb = jax.nn.one_hot(hb, 128, dtype=jnp.float32)
    soft_labels = (1.0 - wh)[..., None] * oh_lb + wh[..., None] * oh_hb  # scatter_add equiv
    logits_t = jnp.transpose(logits, (0, 2, 3, 1))  # [B,H,W,128]
    logp = jax.nn.log_softmax(logits_t, axis=-1)
    ce = -(soft_labels * logp).sum(axis=-1)  # [B,H,W]
    loss_logits = (ce * mask).sum() / denom

    objective = W_DISP * loss_disp + W_LOGITS * loss_logits
    return objective, loss_disp, loss_logits

if __name__ == "__main__":
    import jax
    _d = setup_inputs()
    print(jax.jit(kernel)(*tuple(_d.values())))

</pallas_src>

<mosaic_0001>
#map = affine_map<(d0, d1) -> (0)>
#map1 = affine_map<(d0, d1) -> (0, 0, 0)>
module attributes {stable_mosaic.version = 14 : i64} {
  func.func @sc_stats(%arg0: i32, %arg1: i32, %arg2: memref<294912xf32, #tpu.memory_space<hbm>>, %arg3: memref<294912xf32, #tpu.memory_space<hbm>>, %arg4: memref<294912xf32, #tpu.memory_space<hbm>>, %arg5: memref<32x2x16xf32, #tpu.memory_space<hbm>>, %arg6: memref<9216xf32, #tpu.memory_space<vmem>>, %arg7: memref<9216xf32, #tpu.memory_space<vmem>>, %arg8: memref<9216xf32, #tpu.memory_space<vmem>>, %arg9: memref<2x16xf32, #tpu.memory_space<vmem>>) attributes {dimension_semantics = [#tpu.dimension_semantics<core_parallel>, #tpu.dimension_semantics<subcore_parallel>], iteration_bounds = array<i64: 2, 16>, scalar_prefetch = 0 : i64, scratch_operands = 4 : i64, tpu.core_type = #tpu.core_type<sc_vector_subcore>, window_params = [{transform_indices = #map}, {transform_indices = #map}, {transform_indices = #map}, {transform_indices = #map1}]} {
    %mul3A = arith.constant 2 : i32
    %mul3A_0 = arith.muli %arg1, %mul3A : i32
    %add3A = arith.addi %mul3A_0, %arg0 : i32
    %mul3A_1 = arith.constant 9216 : i32
    %mul3A_2 = arith.muli %add3A, %mul3A_1 : i32
    "tpu.region"() ({
      %run_scoped3A = tpu.sem_alloc : memref<!tpu.dma_semaphore, #tpu.memory_space<semaphore_mem>>
      %dma_start3A = tpu.memref_slice %arg2[%mul3A_2] : memref<294912xf32, #tpu.memory_space<hbm>> -> memref<9216xf32, #tpu.memory_space<hbm>>
      %dma_start3A_20 = tpu.memref_slice %arg2[%mul3A_2] : memref<294912xf32, #tpu.memory_space<hbm>> -> memref<9216xf32, #tpu.memory_space<hbm>>
      tpu.enqueue_dma source(%dma_start3A_20 : memref<9216xf32, #tpu.memory_space<hbm>>) target(%arg6 : memref<9216xf32, #tpu.memory_space<vmem>>) target_semaphore(%run_scoped3A : memref<!tpu.dma_semaphore, #tpu.memory_space<semaphore_mem>>)
      %dma_wait3A = tpu.memref_slice %arg2[%mul3A_2] : memref<294912xf32, #tpu.memory_space<hbm>> -> memref<9216xf32, #tpu.memory_space<hbm>>
      %dma_wait3A_21 = tpu.memref_slice %arg2[%mul3A_2] : memref<294912xf32, #tpu.memory_space<hbm>> -> memref<9216xf32, #tpu.memory_space<hbm>>
      tpu.wait_dma2 semaphore(%run_scoped3A : memref<!tpu.dma_semaphore, #tpu.memory_space<semaphore_mem>>) src(%dma_wait3A_21 : memref<9216xf32, #tpu.memory_space<hbm>>) dst(%arg6 : memref<9216xf32, #tpu.memory_space<vmem>>)
      tpu.yield
    }) : () -> ()
    "tpu.region"() ({
      %run_scoped3A = tpu.sem_alloc : memref<!tpu.dma_semaphore, #tpu.memory_space<semaphore_mem>>
      %dma_start3A = tpu.memref_slice %arg3[%mul3A_2] : memref<294912xf32, #tpu.memory_space<hbm>> -> memref<9216xf32, #tpu.memory_space<hbm>>
      %dma_start3A_20 = tpu.memref_slice %arg3[%mul3A_2] : memref<294912xf32, #tpu.memory_space<hbm>> -> memref<9216xf32, #tpu.memory_space<hbm>>
      tpu.enqueue_dma source(%dma_start3A_20 : memref<9216xf32, #tpu.memory_space<hbm>>) target(%arg7 : memref<9216xf32, #tpu.memory_space<vmem>>) target_semaphore(%run_scoped3A : memref<!tpu.dma_semaphore, #tpu.memory_space<semaphore_mem>>)
      %dma_wait3A = tpu.memref_slice %arg3[%mul3A_2] : memref<294912xf32, #tpu.memory_space<hbm>> -> memref<9216xf32, #tpu.memory_space<hbm>>
      %dma_wait3A_21 = tpu.memref_slice %arg3[%mul3A_2] : memref<294912xf32, #tpu.memory_space<hbm>> -> memref<9216xf32, #tpu.memory_space<hbm>>
      tpu.wait_dma2 semaphore(%run_scoped3A : memref<!tpu.dma_semaphore, #tpu.memory_space<semaphore_mem>>) src(%dma_wait3A_21 : memref<9216xf32, #tpu.memory_space<hbm>>) dst(%arg7 : memref<9216xf32, #tpu.memory_space<vmem>>)
      tpu.yield
    }) : () -> ()
    "tpu.region"() ({
      %run_scoped3A = tpu.sem_alloc : memref<!tpu.dma_semaphore, #tpu.memory_space<semaphore_mem>>
      %dma_start3A = tpu.memref_slice %arg4[%mul3A_2] : memref<294912xf32, #tpu.memory_space<hbm>> -> memref<9216xf32, #tpu.memory_space<hbm>>
      %dma_start3A_20 = tpu.memref_slice %arg4[%mul3A_2] : memref<294912xf32, #tpu.memory_space<hbm>> -> memref<9216xf32, #tpu.memory_space<hbm>>
      tpu.enqueue_dma source(%dma_start3A_20 : memref<9216xf32, #tpu.memory_space<hbm>>) target(%arg8 : memref<9216xf32, #tpu.memory_space<vmem>>) target_semaphore(%run_scoped3A : memref<!tpu.dma_semaphore, #tpu.memory_space<semaphore_mem>>)
      %dma_wait3A = tpu.memref_slice %arg4[%mul3A_2] : memref<294912xf32, #tpu.memory_space<hbm>> -> memref<9216xf32, #tpu.memory_space<hbm>>
      %dma_wait3A_21 = tpu.memref_slice %arg4[%mul3A_2] : memref<294912xf32, #tpu.memory_space<hbm>> -> memref<9216xf32, #tpu.memory_space<hbm>>
      tpu.wait_dma2 semaphore(%run_scoped3A : memref<!tpu.dma_semaphore, #tpu.memory_space<semaphore_mem>>) src(%dma_wait3A_21 : memref<9216xf32, #tpu.memory_space<hbm>>) dst(%arg8 : memref<9216xf32, #tpu.memory_space<vmem>>)
      tpu.yield
    }) : () -> ()
    %broadcast_in_dim3A = arith.constant 0.000000e+00 : f32
    %broadcast_in_dim3A_3 = vector.broadcast %broadcast_in_dim3A : f32 to vector<16xf32>
    %scan3A = arith.constant 0 : i32
    %scan3A_4 = arith.constant 576 : i32
    %scan3A_5 = arith.addi %scan3A, %scan3A_4 : i32
    %scan3A_6 = arith.constant 1 : i32
    %scan3A_7:2 = scf.for %scan3A_20 = %scan3A to %scan3A_5 step %scan3A_6 iter_args(%scan3A_21 = %broadcast_in_dim3A_3, %scan3A_22 = %broadcast_in_dim3A_3) -> (vector<16xf32>, vector<16xf32>)  : i32 {
      %mul3A_23 = arith.constant 16 : i32
      %mul3A_24 = arith.muli %scan3A_20, %mul3A_23 : i32
      %get3A = arith.index_cast %mul3A_24 : i32 to index
      %get3A_25 = tpu.vector_load %arg6[%get3A] {strides = array<i32>} : memref<9216xf32, #tpu.memory_space<vmem>>, vector<16xf32>,
      %get3A_26 = vector.shape_cast %get3A_25 : vector<16xf32> to vector<16xf32>
      %lt3A = arith.constant 3.840000e+02 : f32
      %lt3A_27 = vector.broadcast %lt3A : f32 to vector<16xf32>
      %lt3A_28 = arith.cmpf olt, %get3A_26, %lt3A_27 : vector<16xf32>
      %get3A_29 = arith.index_cast %mul3A_24 : i32 to index
      %get3A_30 = tpu.vector_load %arg8[%get3A_29] {strides = array<i32>} : memref<9216xf32, #tpu.memory_space<vmem>>, vector<16xf32>,
      %get3A_31 = vector.shape_cast %get3A_30 : vector<16xf32> to vector<16xf32>
      %jit3A = arith.constant 0.000000e+00 : f32
      %broadcast_in_dim3A_32 = vector.broadcast %jit3A : f32 to vector<16xf32>
      %select_n3A = arith.select %lt3A_28, %get3A_31, %broadcast_in_dim3A_32 : vector<16xi1>, vector<16xf32>
      %get3A_33 = arith.index_cast %mul3A_24 : i32 to index
      %get3A_34 = tpu.vector_load %arg7[%get3A_33] {strides = array<i32>} : memref<9216xf32, #tpu.memory_space<vmem>>, vector<16xf32>,
      %get3A_35 = vector.shape_cast %get3A_34 : vector<16xf32> to vector<16xf32>
      %sub3A = arith.subf %get3A_35, %get3A_26 : vector<16xf32>
      %abs3A = math.absf %sub3A : vector<16xf32>
      %mul3A_36 = arith.mulf %select_n3A, %abs3A : vector<16xf32>
      %add3A_37 = arith.addf %scan3A_21, %mul3A_36 : vector<16xf32>
      %add3A_38 = arith.addf %scan3A_22, %select_n3A : vector<16xf32>
      scf.yield %add3A_37, %add3A_38 : vector<16xf32>, vector<16xf32>
    }
    %scan3A_8 = arith.constant 576 : i32
    %swap3A = arith.constant 0 : i32
    %swap3A_9 = arith.index_cast %swap3A : i32 to index
    %swap3A_10 = arith.constant 0 : index
    %swap3A_11 = tpu.vector_load %arg9[%swap3A_9, %swap3A_10] {strides = array<i32>} : memref<2x16xf32, #tpu.memory_space<vmem>>, vector<1x16xf32>,
    %swap3A_12 = vector.shape_cast %swap3A_11 : vector<1x16xf32> to vector<16xf32>
    %swap3A_13 = vector.shape_cast %scan3A_7#0 : vector<16xf32> to vector<1x16xf32>
    tpu.vector_store %arg9[%swap3A_9, %swap3A_10], %swap3A_13 {strides = array<i32>} : memref<2x16xf32, #tpu.memory_space<vmem>>, vector<1x16xf32>,
    %swap3A_14 = arith.constant 1 : i32
    %swap3A_15 = arith.index_cast %swap3A_14 : i32 to index
    %swap3A_16 = arith.constant 0 : index
    %swap3A_17 = tpu.vector_load %arg9[%swap3A_15, %swap3A_16] {strides = array<i32>} : memref<2x16xf32, #tpu.memory_space<vmem>>, vector<1x16xf32>,
    %swap3A_18 = vector.shape_cast %swap3A_17 : vector<1x16xf32> to vector<16xf32>
    %swap3A_19 = vector.shape_cast %scan3A_7#1 : vector<16xf32> to vector<1x16xf32>
    tpu.vector_store %arg9[%swap3A_15, %swap3A_16], %swap3A_19 {strides = array<i32>} : memref<2x16xf32, #tpu.memory_space<vmem>>, vector<1x16xf32>,
    "tpu.region"() ({
      %run_scoped3A = tpu.sem_alloc : memref<!tpu.dma_semaphore, #tpu.memory_space<semaphore_mem>>
      %dma_start3A = arith.constant 0 : i32
      %dma_start3A_20 = arith.constant 0 : i32
      %dma_start3A_21 = tpu.memref_slice %arg5[%add3A, %dma_start3A, %dma_start3A_20] : memref<32x2x16xf32, #tpu.memory_space<hbm>> -> memref<1x2x16xf32, #tpu.memory_space<hbm>>
      %dma_start3A_22 = tpu.memref_squeeze %dma_start3A_21 : memref<1x2x16xf32, #tpu.memory_space<hbm>> -> memref<2x16xf32, #tpu.memory_space<hbm>>
      %dma_start3A_23 = arith.constant 0 : i32
      %dma_start3A_24 = arith.constant 0 : i32
      %dma_start3A_25 = tpu.memref_slice %arg5[%add3A, %dma_start3A_23, %dma_start3A_24] : memref<32x2x16xf32, #tpu.memory_space<hbm>> -> memref<1x2x16xf32, #tpu.memory_space<hbm>>
      %dma_start3A_26 = tpu.memref_squeeze %dma_start3A_25 : memref<1x2x16xf32, #tpu.memory_space<hbm>> -> memref<2x16xf32, #tpu.memory_space<hbm>>
      tpu.enqueue_dma source(%arg9 : memref<2x16xf32, #tpu.memory_space<vmem>>) target(%dma_start3A_26 : memref<2x16xf32, #tpu.memory_space<hbm>>) target_semaphore(%run_scoped3A : memref<!tpu.dma_semaphore, #tpu.memory_space<semaphore_mem>>)
      %dma_wait3A = arith.constant 0 : i32
      %dma_wait3A_27 = arith.constant 0 : i32
      %dma_wait3A_28 = tpu.memref_slice %arg5[%add3A, %dma_wait3A, %dma_wait3A_27] : memref<32x2x16xf32, #tpu.memory_space<hbm>> -> memref<1x2x16xf32, #tpu.memory_space<hbm>>
      %dma_wait3A_29 = tpu.memref_squeeze %dma_wait3A_28 : memref<1x2x16xf32, #tpu.memory_space<hbm>> -> memref<2x16xf32, #tpu.memory_space<hbm>>
      %dma_wait3A_30 = arith.constant 0 : i32
      %dma_wait3A_31 = arith.constant 0 : i32
      %dma_wait3A_32 = tpu.memref_slice %arg5[%add3A, %dma_wait3A_30, %dma_wait3A_31] : memref<32x2x16xf32, #tpu.memory_space<hbm>> -> memref<1x2x16xf32, #tpu.memory_space<hbm>>
      %dma_wait3A_33 = tpu.memref_squeeze %dma_wait3A_32 : memref<1x2x16xf32, #tpu.memory_space<hbm>> -> memref<2x16xf32, #tpu.memory_space<hbm>>
      tpu.wait_dma2 semaphore(%run_scoped3A : memref<!tpu.dma_semaphore, #tpu.memory_space<semaphore_mem>>) src(%arg9 : memref<2x16xf32, #tpu.memory_space<vmem>>) dst(%dma_wait3A_33 : memref<2x16xf32, #tpu.memory_space<hbm>>)
      tpu.yield
    }) : () -> ()
    return
  }
}

module attributes {stable_mosaic.version = 14 : i64} {
  func.func @_tc_body(%arg0: i32, %arg1: i32, %arg2: memref<1x32x384xf32, #tpu.memory_space<vmem>>, %arg3: memref<1x32x384xf32, #tpu.memory_space<vmem>>, %arg4: memref<1x128x32x384xf32, #tpu.memory_space<vmem>>, %arg5: memref<1xf32, #tpu.memory_space<smem>>) attributes {dimension_semantics = [#tpu.dimension_semantics<arbitrary>, #tpu.dimension_semantics<arbitrary>], iteration_bounds = array<i64: 2, 12>, scalar_prefetch = 0 : i64, scratch_operands = 0 : i64, tpu.core_type = #tpu.core_type<tc>, window_params = [{transform_indices = @transform_0, window_bounds = array<i64: 1, 32, 384>}, {transform_indices = @transform_1, window_bounds = array<i64: 1, 32, 384>}, {transform_indices = @transform_2, window_bounds = array<i64: 1, 128, 32, 384>}, {transform_indices = @transform_3, window_bounds = array<i64: 1>}]} {
    %eq3A = arith.constant 0 : i32
    %eq3A_0 = arith.cmpi eq, %arg0, %eq3A : i32
    %eq3A_1 = arith.constant 0 : i32
    %eq3A_2 = arith.cmpi eq, %arg1, %eq3A_1 : i32
    %and3A = arith.andi %eq3A_0, %eq3A_2 : i1
    %convert_element_type3A = arith.extui %and3A : i1 to i32
    %cond3A = arith.constant 0 : i32
    %cond3A_3 = arith.cmpi ne, %convert_element_type3A, %cond3A : i32
    scf.if %cond3A_3 {
      %swap3A_565 = arith.constant 0.000000e+00 : f32
      %swap3A_566 = arith.constant 0 : index
      %swap3A_567 = memref.load %arg5[%swap3A_566] : memref<1xf32, #tpu.memory_space<smem>>
      memref.store %swap3A_565, %arg5[%swap3A_566] : memref<1xf32, #tpu.memory_space<smem>>
    } else {
    }
    %get3A = arith.constant 0 : index
    %get3A_4 = arith.constant 0 : index
    %get3A_5 = arith.constant 0 : index
    %get3A_6 = vector.load %arg2[%get3A, %get3A_4, %get3A_5] : memref<1x32x384xf32, #tpu.memory_space<vmem>>, vector<1x32x384xf32>
    %get3A_7 = vector.shape_cast %get3A_6 : vector<1x32x384xf32> to vector<32x384xf32>
    %get3A_8 = arith.constant 0 : index
    %get3A_9 = arith.constant 0 : index
    %get3A_10 = arith.constant 0 : index
    %get3A_11 = vector.load %arg3[%get3A_8, %get3A_9, %get3A_10] : memref<1x32x384xf32, #tpu.memory_space<vmem>>, vector<1x32x384xf32>
    %get3A_12 = vector.shape_cast %get3A_11 : vector<1x32x384xf32> to vector<32x384xf32>
    %lt3A = arith.constant 3.840000e+02 : f32
    %lt3A_13 = vector.broadcast %lt3A : f32 to vector<32x384xf32>
    %lt3A_14 = arith.cmpf olt, %get3A_7, %lt3A_13 : vector<32x384xf32>
    %jit3A = arith.constant 0.000000e+00 : f32
    %broadcast_in_dim3A = vector.broadcast %jit3A : f32 to vector<32x384xf32>
    %select_n3A = arith.select %lt3A_14, %get3A_12, %broadcast_in_dim3A : vector<32x384xi1>, vector<32x384xf32>
    %jit3A_15 = arith.constant 0.000000e+00 : f32
    %jit3A_16 = arith.constant 3.810000e+02 : f32
    %max3A = vector.broadcast %jit3A_15 : f32 to vector<32x384xf32>
    %max3A_17 = arith.maximumf %max3A, %get3A_7 : vector<32x384xf32>
    %min3A = vector.broadcast %jit3A_16 : f32 to vector<32x384xf32>
    %min3A_18 = arith.minimumf %min3A, %max3A_17 : vector<32x384xf32>
    %div3A = arith.constant 3.000000e+00 : f32
    %div3A_19 = vector.broadcast %div3A : f32 to vector<32x384xf32>
    %div3A_20 = arith.divf %min3A_18, %div3A_19 : vector<32x384xf32>
    %get3A_21 = arith.constant 0 : index
    %get3A_22 = arith.constant 0 : index
    %get3A_23 = arith.constant 0 : index
    %get3A_24 = arith.constant 0 : index
    %get3A_25 = vector.load %arg4[%get3A_21, %get3A_22, %get3A_23, %get3A_24] : memref<1x128x32x384xf32, #tpu.memory_space<vmem>>, vector<1x128x32x384xf32>
    %get3A_26 = vector.shape_cast %get3A_25 : vector<1x128x32x384xf32> to vector<128x32x384xf32>
    %reduce_max3A = arith.constant dense<0xFF800000> : vector<32x384xf32>
    %reduce_max3A_27 = vector.multi_reduction <maximumf>, %get3A_26, %reduce_max3A [0] : vector<128x32x384xf32> to vector<32x384xf32>
    %broadcast_in_dim3A_28 = arith.constant 0.000000e+00 : f32
    %broadcast_in_dim3A_29 = vector.broadcast %broadcast_in_dim3A_28 : f32 to vector<32x384xf32>
    %broadcast_in_dim3A_30 = arith.constant 0.000000e+00 : f32
    %broadcast_in_dim3A_31 = vector.broadcast %broadcast_in_dim3A_30 : f32 to vector<32x384xf32>
    %get3A_32 = arith.constant 0 : index
    %get3A_33 = arith.constant 0 : index
    %get3A_34 = arith.constant 0 : index
    %get3A_35 = arith.constant 0 : index
    %get3A_36 = vector.load %arg4[%get3A_32, %get3A_33, %get3A_34, %get3A_35] : memref<1x128x32x384xf32, #tpu.memory_space<vmem>>, vector<1x8x32x384xf32>
    %get3A_37 = vector.shape_cast %get3A_36 : vector<1x8x32x384xf32> to vector<8x32x384xf32>
    %broadcast_in_dim3A_38 = vector.shape_cast %reduce_max3A_27 : vector<32x384xf32> to vector<1x32x384xf32>
    %sub3A = vector.broadcast %broadcast_in_dim3A_38 : vector<1x32x384xf32> to vector<8x32x384xf32>
    %sub3A_39 = arith.subf %get3A_37, %sub3A : vector<8x32x384xf32>
    %exp3A = math.exp %sub3A_39 : vector<8x32x384xf32>
    %reduce_sum3A = arith.constant dense<0.000000e+00> : vector<32x384xf32>
    %reduce_sum3A_40 = vector.multi_reduction <add>, %exp3A, %reduce_sum3A [0] : vector<8x32x384xf32> to vector<32x384xf32>
    %add3A = arith.addf %broadcast_in_dim3A_29, %reduce_sum3A_40 : vector<32x384xf32>
    %iota3A = tpu.iota {dimensions = array<i32: 0>} : vector<8x1x1xi32>
    %add3A_41 = arith.constant 0 : i32
    %add3A_42 = vector.broadcast %add3A_41 : i32 to vector<8x1x1xi32>
    %add3A_43 = arith.addi %iota3A, %add3A_42 : vector<8x1x1xi32>
    %convert_element_type3A_44 = arith.sitofp %add3A_43 : vector<8x1x1xi32> to vector<8x1x1xf32>
    %broadcast_in_dim3A_45 = vector.shape_cast %div3A_20 : vector<32x384xf32> to vector<1x32x384xf32>
    %sub3A_46 = vector.broadcast %broadcast_in_dim3A_45 : vector<1x32x384xf32> to vector<8x32x384xf32>
    %sub3A_47 = vector.broadcast %convert_element_type3A_44 : vector<8x1x1xf32> to vector<8x32x384xf32>
    %sub3A_48 = arith.subf %sub3A_46, %sub3A_47 : vector<8x32x384xf32>
    %abs3A = math.absf %sub3A_48 : vector<8x32x384xf32>
    %sub3A_49 = arith.constant 1.000000e+00 : f32
    %sub3A_50 = vector.broadcast %sub3A_49 : f32 to vector<8x32x384xf32>
    %sub3A_51 = arith.subf %sub3A_50, %abs3A : vector<8x32x384xf32>
    %max3A_52 = arith.constant 0.000000e+00 : f32
    %max3A_53 = vector.broadcast %max3A_52 : f32 to vector<8x32x384xf32>
    %max3A_54 = arith.maximumf %sub3A_51, %max3A_53 : vector<8x32x384xf32>
    %mul3A = arith.mulf %get3A_37, %max3A_54 : vector<8x32x384xf32>
    %reduce_sum3A_55 = arith.constant dense<0.000000e+00> : vector<32x384xf32>
    %reduce_sum3A_56 = vector.multi_reduction <add>, %mul3A, %reduce_sum3A_55 [0] : vector<8x32x384xf32> to vector<32x384xf32>
    %add3A_57 = arith.addf %broadcast_in_dim3A_31, %reduce_sum3A_56 : vector<32x384xf32>
    %get3A_58 = arith.constant 0 : index
    %get3A_59 = arith.constant 8 : index
    %get3A_60 = arith.constant 0 : index
    %get3A_61 = arith.constant 0 : index
    %get3A_62 = vector.load %arg4[%get3A_58, %get3A_59, %get3A_60, %get3A_61] : memref<1x128x32x384xf32, #tpu.memory_space<vmem>>, vector<1x8x32x384xf32>
    %get3A_63 = vector.shape_cast %get3A_62 : vector<1x8x32x384xf32> to vector<8x32x384xf32>
    %broadcast_in_dim3A_64 = vector.shape_cast %reduce_max3A_27 : vector<32x384xf32> to vector<1x32x384xf32>
    %sub3A_65 = vector.broadcast %broadcast_in_dim3A_64 : vector<1x32x384xf32> to vector<8x32x384xf32>
    %sub3A_66 = arith.subf %get3A_63, %sub3A_65 : vector<8x32x384xf32>
    %exp3A_67 = math.exp %sub3A_66 : vector<8x32x384xf32>
    %reduce_sum3A_68 = arith.constant dense<0.000000e+00> : vector<32x384xf32>
    %reduce_sum3A_69 = vector.multi_reduction <add>, %exp3A_67, %reduce_sum3A_68 [0] : vector<8x32x384xf32> to vector<32x384xf32>
    %add3A_70 = arith.addf %add3A, %reduce_sum3A_69 : vector<32x384xf32>
    %iota3A_71 = tpu.iota {dimensions = array<i32: 0>} : vector<8x1x1xi32>
    %add3A_72 = arith.constant 8 : i32
    %add3A_73 = vector.broadcast %add3A_72 : i32 to vector<8x1x1xi32>
    %add3A_74 = arith.addi %iota3A_71, %add3A_73 : vector<8x1x1xi32>
    %convert_element_type3A_75 = arith.sitofp %add3A_74 : vector<8x1x1xi32> to vector<8x1x1xf32>
    %broadcast_in_dim3A_76 = vector.shape_cast %div3A_20 : vector<32x384xf32> to vector<1x32x384xf32>
    %sub3A_77 = vector.broadcast %broadcast_in_dim3A_76 : vector<1x32x384xf32> to vector<8x32x384xf32>
    %sub3A_78 = vector.broadcast %convert_element_type3A_75 : vector<8x1x1xf32> to vector<8x32x384xf32>
    %sub3A_79 = arith.subf %sub3A_77, %sub3A_78 : vector<8x32x384xf32>
    %abs3A_80 = math.absf %sub3A_79 : vector<8x32x384xf32>
    %sub3A_81 = arith.constant 1.000000e+00 : f32
    %sub3A_82 = vector.broadcast %sub3A_81 : f32 to vector<8x32x384xf32>
    %sub3A_83 = arith.subf %sub3A_82, %abs3A_80 : vector<8x32x384xf32>
    %max3A_84 = arith.constant 0.000000e+00 : f32
    %max3A_85 = vector.broadcast %max3A_84 : f32 to vector<8x32x384xf32>
    %max3A_86 = arith.maximumf %sub3A_83, %max3A_85 : vector<8x32x384xf32>
    %mul3A_87 = arith.mulf %get3A_63, %max3A_86 : vector<8x32x384xf32>
    %reduce_sum3A_88 = arith.constant dense<0.000000e+00> : vector<32x384xf32>
    %reduce_sum3A_89 = vector.multi_reduction <add>, %mul3A_87, %reduce_sum3A_88 [0] : vector<8x32x384xf32> to vector<32x384xf32>
    %add3A_90 = arith.addf %add3A_57, %reduce_sum3A_89 : vector<32x384xf32>
    %get3A_91 = arith.constant 0 : index
    %get3A_92 = arith.constant 16 : index
    %get3A_93 = arith.constant 0 : index
    %get3A_94 = arith.constant 0 : index
    %get3A_95 = vector.load %arg4[%get3A_91, %get3A_92, %get3A_93, %get3A_94] : memref<1x128x32x384xf32, #tpu.memory_space<vmem>>, vector<1x8x32x384xf32>
    %get3A_96 = vector.shape_cast %get3A_95 : vector<1x8x32x384xf32> to vector<8x32x384xf32>
    %broadcast_in_dim3A_97 = vector.shape_cast %reduce_max3A_27 : vector<32x384xf32> to vector<1x32x384xf32>
    %sub3A_98 = vector.broadcast %broadcast_in_dim3A_97 : vector<1x32x384xf32> to vector<8x32x384xf32>
    %sub3A_99 = arith.subf %get3A_96, %sub3A_98 : vector<8x32x384xf32>
    %exp3A_100 = math.exp %sub3A_99 : vector<8x32x384xf32>
    %reduce_sum3A_101 = arith.constant dense<0.000000e+00> : vector<32x384xf32>
    %reduce_sum3A_102 = vector.multi_reduction <add>, %exp3A_100, %reduce_sum3A_101 [0] : vector<8x32x384xf32> to vector<32x384xf32>
    %add3A_103 = arith.addf %add3A_70, %reduce_sum3A_102 : vector<32x384xf32>
    %iota3A_104 = tpu.iota {dimensions = array<i32: 0>} : vector<8x1x1xi32>
    %add3A_105 = arith.constant 16 : i32
    %add3A_106 = vector.broadcast %add3A_105 : i32 to vector<8x1x1xi32>
    %add3A_107 = arith.addi %iota3A_104, %add3A_106 : vector<8x1x1xi32>
    %convert_element_type3A_108 = arith.sitofp %add3A_107 : vector<8x1x1xi32> to vector<8x1x1xf32>
    %broadcast_in_dim3A_109 = vector.shape_cast %div3A_20 : vector<32x384xf32> to vector<1x32x384xf32>
    %sub3A_110 = vector.broadcast %broadcast_in_dim3A_109 : vector<1x32x384xf32> to vector<8x32x384xf32>
    %sub3A_111 = vector.broadcast %convert_element_type3A_108 : vector<8x1x1xf32> to vector<8x32x384xf32>
    %sub3A_112 = arith.subf %sub3A_110, %sub3A_111 : vector<8x32x384xf32>
    %abs3A_113 = math.absf %sub3A_112 : vector<8x32x384xf32>
    %sub3A_114 = arith.constant 1.000000e+00 : f32
    %sub3A_115 = vector.broadcast %sub3A_114 : f32 to vector<8x32x384xf32>
    %sub3A_116 = arith.subf %sub3A_115, %abs3A_113 : vector<8x32x384xf32>
    %max3A_117 = arith.constant 0.000000e+00 : f32
    %max3A_118 = vector.broadcast %max3A_117 : f32 to vector<8x32x384xf32>
    %max3A_119 = arith.maximumf %sub3A_116, %max3A_118 : vector<8x32x384xf32>
    %mul3A_120 = arith.mulf %get3A_96, %max3A_119 : vector<8x32x384xf32>
    %reduce_sum3A_121 = arith.constant dense<0.000000e+00> : vector<32x384xf32>
    %reduce_sum3A_122 = vector.multi_reduction <add>, %mul3A_120, %reduce_sum3A_121 [0] : vector<8x32x384xf32> to vector<32x384xf32>
    %add3A_123 = arith.addf %add3A_90, %reduce_sum3A_122 : vector<32x384xf32>
    %get3A_124 = arith.constant 0 : index
    %get3A_125 = arith.constant 24 : index
    %get3A_126 = arith.constant 0 : index
    %get3A_127 = arith.constant 0 : index
    %get3A_128 = vector.load %arg4[%get3A_124, %get3A_125, %get3A_126, %get3A_127] : memref<1x128x32x384xf32, #tpu.memory_space<vmem>>, vector<1x8x32x384xf32>
    %get3A_129 = vector.shape_cast %get3A_128 : vector<1x8x32x384xf32> to vector<8x32x384xf32>
    %broadcast_in_dim3A_130 = vector.shape_cast %reduce_max3A_27 : vector<32x384xf32> to vector<1x32x384xf32>
    %sub3A_131 = vector.broadcast %broadcast_in_dim3A_130 : vector<1x32x384xf32> to vector<8x32x384xf32>
    %sub3A_132 = arith.subf %get3A_129, %sub3A_131 : vector<8x32x384xf32>
    %exp3A_133 = math.exp %sub3A_132 : vector<8x32x384xf32>
    %reduce_sum3A_134 = arith.constant dense<0.000000e+00> : vector<32x384xf32>
    %reduce_sum3A_135 = vector.multi_reduction <add>, %exp3A_133, %reduce_sum3A_134 [0] : vector<8x32x384xf32> to vector<32x384xf32>
    %add3A_136 = arith.addf %add3A_103, %reduce_sum3A_135 : vector<32x384xf32>
    %iota3A_137 = tpu.iota {dimensions = array<i32: 0>} : vector<8x1x1xi32>
    %add3A_138 = arith.constant 24 : i32
    %add3A_139 = vector.broadcast %add3A_138 : i32 to vector<8x1x1xi32>
    %add3A_140 = arith.addi %iota3A_137, %add3A_139 : vector<8x1x1xi32>
    %convert_element_type3A_141 = arith.sitofp %add3A_140 : vector<8x1x1xi32> to vector<8x1x1xf32>
    %broadcast_in_dim3A_142 = vector.shape_cast %div3A_20 : vector<32x384xf32> to vector<1x32x384xf32>
    %sub3A_143 = vector.broadcast %broadcast_in_dim3A_142 : vector<1x32x384xf32> to vector<8x32x384xf32>
    %sub3A_144 = vector.broadcast %convert_element_type3A_141 : vector<8x1x1xf32> to vector<8x32x384xf32>
    %sub3A_145 = arith.subf %sub3A_143, %sub3A_144 : vector<8x32x384xf32>
    %abs3A_146 = math.absf %sub3A_145 : vector<8x32x384xf32>
    %sub3A_147 = arith.constant 1.000000e+00 : f32
    %sub3A_148 = vector.broadcast %sub3A_147 : f32 to vector<8x32x384xf32>
    %sub3A_149 = arith.subf %sub3A_148, %abs3A_146 : vector<8x32x384xf32>
    %max3A_150 = arith.constant 0.000000e+00 : f32
    %max3A_151 = vector.broadcast %max3A_150 : f32 to vector<8x32x384xf32>
    %max3A_152 = arith.maximumf %sub3A_149, %max3A_151 : vector<8x32x384xf32>
    %mul3A_153 = arith.mulf %get3A_129, %max3A_152 : vector<8x32x384xf32>
    %reduce_sum3A_154 = arith.constant dense<0.000000e+00> : vector<32x384xf32>
    %reduce_sum3A_155 = vector.multi_reduction <add>, %mul3A_153, %reduce_sum3A_154 [0] : vector<8x32x384xf32> to vector<32x384xf32>
    %add3A_156 = arith.addf %add3A_123, %reduce_sum3A_155 : vector<32x384xf32>
    %get3A_157 = arith.constant 0 : index
    %get3A_158 = arith.constant 32 : index
    %get3A_159 = arith.constant 0 : index
    %get3A_160 = arith.constant 0 : index
    %get3A_161 = vector.load %arg4[%get3A_157, %get3A_158, %get3A_159, %get3A_160] : memref<1x128x32x384xf32, #tpu.memory_space<vmem>>, vector<1x8x32x384xf32>
    %get3A_162 = vector.shape_cast %get3A_161 : vector<1x8x32x384xf32> to vector<8x32x384xf32>
    %broadcast_in_dim3A_163 = vector.shape_cast %reduce_max3A_27 : vector<32x384xf32> to vector<1x32x384xf32>
    %sub3A_164 = vector.broadcast %broadcast_in_dim3A_163 : vector<1x32x384xf32> to vector<8x32x384xf32>
    %sub3A_165 = arith.subf %get3A_162, %sub3A_164 : vector<8x32x384xf32>
    %exp3A_166 = math.exp %sub3A_165 : vector<8x32x384xf32>
    %reduce_sum3A_167 = arith.constant dense<0.000000e+00> : vector<32x384xf32>
    %reduce_sum3A_168 = vector.multi_reduction <add>, %exp3A_166, %reduce_sum3A_167 [0] : vector<8x32x384xf32> to vector<32x384xf32>
    %add3A_169 = arith.addf %add3A_136, %reduce_sum3A_168 : vector<32x384xf32>
    %iota3A_170 = tpu.iota {dimensions = array<i32: 0>} : vector<8x1x1xi32>
    %add3A_171 = arith.constant 32 : i32
    %add3A_172 = vector.broadcast %add3A_171 : i32 to vector<8x1x1xi32>
    %add3A_173 = arith.addi %iota3A_170, %add3A_172 : vector<8x1x1xi32>
    %convert_element_type3A_174 = arith.sitofp %add3A_173 : vector<8x1x1xi32> to vector<8x1x1xf32>
    %broadcast_in_dim3A_175 = vector.shape_cast %div3A_20 : vector<32x384xf32> to vector<1x32x384xf32>
    %sub3A_176 = vector.broadcast %broadcast_in_dim3A_175 : vector<1x32x384xf32> to vector<8x32x384xf32>
    %sub3A_177 = vector.broadcast %convert_element_type3A_174 : vector<8x1x1xf32> to vector<8x32x384xf32>
    %sub3A_178 = arith.subf %sub3A_176, %sub3A_177 : vector<8x32x384xf32>
    %abs3A_179 = math.absf %sub3A_178 : vector<8x32x384xf32>
    %sub3A_180 = arith.constant 1.000000e+00 : f32
    %sub3A_181 = vector.broadcast %sub3A_180 : f32 to vector<8x32x384xf32>
    %sub3A_182 = arith.subf %sub3A_181, %abs3A_179 : vector<8x32x384xf32>
    %max3A_183 = arith.constant 0.000000e+00 : f32
    %max3A_184 = vector.broadcast %max3A_183 : f32 to vector<8x32x384xf32>
    %max3A_185 = arith.maximumf %sub3A_182, %max3A_184 : vector<8x32x384xf32>
    %mul3A_186 = arith.mulf %get3A_162, %max3A_185 : vector<8x32x384xf32>
    %reduce_sum3A_187 = arith.constant dense<0.000000e+00> : vector<32x384xf32>
    %reduce_sum3A_188 = vector.multi_reduction <add>, %mul3A_186, %reduce_sum3A_187 [0] : vector<8x32x384xf32> to vector<32x384xf32>
    %add3A_189 = arith.addf %add3A_156, %reduce_sum3A_188 : vector<32x384xf32>
    %get3A_190 = arith.constant 0 : index
    %get3A_191 = arith.constant 40 : index
    %get3A_192 = arith.constant 0 : index
    %get3A_193 = arith.constant 0 : index
    %get3A_194 = vector.load %arg4[%get3A_190, %get3A_191, %get3A_192, %get3A_193] : memref<1x128x32x384xf32, #tpu.memory_space<vmem>>, vector<1x8x32x384xf32>
    %get3A_195 = vector.shape_cast %get3A_194 : vector<1x8x32x384xf32> to vector<8x32x384xf32>
    %broadcast_in_dim3A_196 = vector.shape_cast %reduce_max3A_27 : vector<32x384xf32> to vector<1x32x384xf32>
    %sub3A_197 = vector.broadcast %broadcast_in_dim3A_196 : vector<1x32x384xf32> to vector<8x32x384xf32>
    %sub3A_198 = arith.subf %get3A_195, %sub3A_197 : vector<8x32x384xf32>
    %exp3A_199 = math.exp %sub3A_198 : vector<8x32x384xf32>
    %reduce_sum3A_200 = arith.constant dense<0.000000e+00> : vector<32x384xf32>
    %reduce_sum3A_201 = vector.multi_reduction <add>, %exp3A_199, %reduce_sum3A_200 [0] : vector<8x32x384xf32> to vector<32x384xf32>
    %add3A_202 = arith.addf %add3A_169, %reduce_sum3A_201 : vector<32x384xf32>
    %iota3A_203 = tpu.iota {dimensions = array<i32: 0>} : vector<8x1x1xi32>
    %add3A_204 = arith.constant 40 : i32
    %add3A_205 = vector.broadcast %add3A_204 : i32 to vector<8x1x1xi32>
    %add3A_206 = arith.addi %iota3A_203, %add3A_205 : vector<8x1x1xi32>
    %convert_element_type3A_207 = arith.sitofp %add3A_206 : vector<8x1x1xi32> to vector<8x1x1xf32>
    %broadcast_in_dim3A_208 = vector.shape_cast %div3A_20 : vector<32x384xf32> to vector<1x32x384xf32>
    %sub3A_209 = vector.broadcast %broadcast_in_dim3A_208 : vector<1x32x384xf32> to vector<8x32x384xf32>
    %sub3A_210 = vector.broadcast %convert_element_type3A_207 : vector<8x1x1xf32> to vector<8x32x384xf32>
    %sub3A_211 = arith.subf %sub3A_209, %sub3A_210 : vector<8x32x384xf32>
    %abs3A_212 = math.absf %sub3A_211 : vector<8x32x384xf32>
    %sub3A_213 = arith.constant 1.000000e+00 : f32
    %sub3A_214 = vector.broadcast %sub3A_213 : f32 to vector<8x32x384xf32>
    %sub3A_215 = arith.subf %sub3A_214, %abs3A_212 : vector<8x32x384xf32>
    %max3A_216 = arith.constant 0.000000e+00 : f32
    %max3A_217 = vector.broadcast %max3A_216 : f32 to vector<8x32x384xf32>
    %max3A_218 = arith.maximumf %sub3A_215, %max3A_217 : vector<8x32x384xf32>
    %mul3A_219 = arith.mulf %get3A_195, %max3A_218 : vector<8x32x384xf32>
    %reduce_sum3A_220 = arith.constant dense<0.000000e+00> : vector<32x384xf32>
    %reduce_sum3A_221 = vector.multi_reduction <add>, %mul3A_219, %reduce_sum3A_220 [0] : vector<8x32x384xf32> to vector<32x384xf32>
    %add3A_222 = arith.addf %add3A_189, %reduce_sum3A_221 : vector<32x384xf32>
    %get3A_223 = arith.constant 0 : index
    %get3A_224 = arith.constant 48 : index
    %get3A_225 = arith.constant 0 : index
    %get3A_226 = arith.constant 0 : index
    %get3A_227 = vector.load %arg4[%get3A_223, %get3A_224, %get3A_225, %get3A_226] : memref<1x128x32x384xf32, #tpu.memory_space<vmem>>, vector<1x8x32x384xf32>
    %get3A_228 = vector.shape_cast %get3A_227 : vector<1x8x32x384xf32> to vector<8x32x384xf32>
    %broadcast_in_dim3A_229 = vector.shape_cast %reduce_max3A_27 : vector<32x384xf32> to vector<1x32x384xf32>
    %sub3A_230 = vector.broadcast %broadcast_in_dim3A_229 : vector<1x32x384xf32> to vector<8x32x384xf32>
    %sub3A_231 = arith.subf %get3A_228, %sub3A_230 : vector<8x32x384xf32>
    %exp3A_232 = math.exp %sub3A_231 : vector<8x32x384xf32>
    %reduce_sum3A_233 = arith.constant dense<0.000000e+00> : vector<32x384xf32>
    %reduce_sum3A_234 = vector.multi_reduction <add>, %exp3A_232, %reduce_sum3A_233 [0] : vector<8x32x384xf32> to vector<32x384xf32>
    %add3A_235 = arith.addf %add3A_202, %reduce_sum3A_234 : vector<32x384xf32>
    %iota3A_236 = tpu.iota {dimensions = array<i32: 0>} : vector<8x1x1xi32>
    %add3A_237 = arith.constant 48 : i32
    %add3A_238 = vector.broadcast %add3A_237 : i32 to vector<8x1x1xi32>
    %add3A_239 = arith.addi %iota3A_236, %add3A_238 : vector<8x1x1xi32>
    %convert_element_type3A_240 = arith.sitofp %add3A_239 : vector<8x1x1xi32> to vector<8x1x1xf32>
    %broadcast_in_dim3A_241 = vector.shape_cast %div3A_20 : vector<32x384xf32> to vector<1x32x384xf32>
    %sub3A_242 = vector.broadcast %broadcast_in_dim3A_241 : vector<1x32x384xf32> to vector<8x32x384xf32>
    %sub3A_243 = vector.broadcast %convert_element_type3A_240 : vector<8x1x1xf32> to vector<8x32x384xf32>
    %sub3A_244 = arith.subf %sub3A_242, %sub3A_243 : vector<8x32x384xf32>
    %abs3A_245 = math.absf %sub3A_244 : vector<8x32x384xf32>
    %sub3A_246 = arith.constant 1.000000e+00 : f32
    %sub3A_247 = vector.broadcast %sub3A_246 : f32 to vector<8x32x384xf32>
    %sub3A_248 = arith.subf %sub3A_247, %abs3A_245 : vector<8x32x384xf32>
    %max3A_249 = arith.constant 0.000000e+00 : f32
    %max3A_250 = vector.broadcast %max3A_249 : f32 to vector<8x32x384xf32>
    %max3A_251 = arith.maximumf %sub3A_248, %max3A_250 : vector<8x32x384xf32>
    %mul3A_252 = arith.mulf %get3A_228, %max3A_251 : vector<8x32x384xf32>
    %reduce_sum3A_253 = arith.constant dense<0.000000e+00> : vector<32x384xf32>
    %reduce_sum3A_254 = vector.multi_reduction <add>, %mul3A_252, %reduce_sum3A_253 [0] : vector<8x32x384xf32> to vector<32x384xf32>
    %add3A_255 = arith.addf %add3A_222, %reduce_sum3A_254 : vector<32x384xf32>
    %get3A_256 = arith.constant 0 : index
    %get3A_257 = arith.constant 56 : index
    %get3A_258 = arith.constant 0 : index
    %get3A_259 = arith.constant 0 : index
    %get3A_260 = vector.load %arg4[%get3A_256, %get3A_257, %get3A_258, %get3A_259] : memref<1x128x32x384xf32, #tpu.memory_space<vmem>>, vector<1x8x32x384xf32>
    %get3A_261 = vector.shape_cast %get3A_260 : vector<1x8x32x384xf32> to vector<8x32x384xf32>
    %broadcast_in_dim3A_262 = vector.shape_cast %reduce_max3A_27 : vector<32x384xf32> to vector<1x32x384xf32>
    %sub3A_263 = vector.broadcast %broadcast_in_dim3A_262 : vector<1x32x384xf32> to vector<8x32x384xf32>
    %sub3A_264 = arith.subf %get3A_261, %sub3A_263 : vector<8x32x384xf32>
    %exp3A_265 = math.exp %sub3A_264 : vector<8x32x384xf32>
    %reduce_sum3A_266 = arith.constant dense<0.000000e+00> : vector<32x384xf32>
    %reduce_sum3A_267 = vector.multi_reduction <add>, %exp3A_265, %reduce_sum3A_266 [0] : vector<8x32x384xf32> to vector<32x384xf32>
    %add3A_268 = arith.addf %add3A_235, %reduce_sum3A_267 : vector<32x384xf32>
    %iota3A_269 = tpu.iota {dimensions = array<i32: 0>} : vector<8x1x1xi32>
    %add3A_270 = arith.constant 56 : i32
    %add3A_271 = vector.broadcast %add3A_270 : i32 to vector<8x1x1xi32>
    %add3A_272 = arith.addi %iota3A_269, %add3A_271 : vector<8x1x1xi32>
    %convert_element_type3A_273 = arith.sitofp %add3A_272 : vector<8x1x1xi32> to vector<8x1x1xf32>
    %broadcast_in_dim3A_274 = vector.shape_cast %div3A_20 : vector<32x384xf32> to vector<1x32x384xf32>
    %sub3A_275 = vector.broadcast %broadcast_in_dim3A_274 : vector<1x32x384xf32> to vector<8x32x384xf32>
    %sub3A_276 = vector.broadcast %convert_element_type3A_273 : vector<8x1x1xf32> to vector<8x32x384xf32>
    %sub3A_277 = arith.subf %sub3A_275, %sub3A_276 : vector<8x32x384xf32>
    %abs3A_278 = math.absf %sub3A_277 : vector<8x32x384xf32>
    %sub3A_279 = arith.constant 1.000000e+00 : f32
    %sub3A_280 = vector.broadcast %sub3A_279 : f32 to vector<8x32x384xf32>
    %sub3A_281 = arith.subf %sub3A_280, %abs3A_278 : vector<8x32x384xf32>
    %max3A_282 = arith.constant 0.000000e+00 : f32
    %max3A_283 = vector.broadcast %max3A_282 : f32 to vector<8x32x384xf32>
    %max3A_284 = arith.maximumf %sub3A_281, %max3A_283 : vector<8x32x384xf32>
    %mul3A_285 = arith.mulf %get3A_261, %max3A_284 : vector<8x32x384xf32>
    %reduce_sum3A_286 = arith.constant dense<0.000000e+00> : vector<32x384xf32>
    %reduce_sum3A_287 = vector.multi_reduction <add>, %mul3A_285, %reduce_sum3A_286 [0] : vector<8x32x384xf32> to vector<32x384xf32>
    %add3A_288 = arith.addf %add3A_255, %reduce_sum3A_287 : vector<32x384xf32>
    %get3A_289 = arith.constant 0 : index
    %get3A_290 = arith.constant 64 : index
    %get3A_291 = arith.constant 0 : index
    %get3A_292 = arith.constant 0 : index
    %get3A_293 = vector.load %arg4[%get3A_289, %get3A_290, %get3A_291, %get3A_292] : memref<1x128x32x384xf32, #tpu.memory_space<vmem>>, vector<1x8x32x384xf32>
    %get3A_294 = vector.shape_cast %get3A_293 : vector<1x8x32x384xf32> to vector<8x32x384xf32>
    %broadcast_in_dim3A_295 = vector.shape_cast %reduce_max3A_27 : vector<32x384xf32> to vector<1x32x384xf32>
    %sub3A_296 = vector.broadcast %broadcast_in_dim3A_295 : vector<1x32x384xf32> to vector<8x32x384xf32>
    %sub3A_297 = arith.subf %get3A_294, %sub3A_296 : vector<8x32x384xf32>
    %exp3A_298 = math.exp %sub3A_297 : vector<8x32x384xf32>
    %reduce_sum3A_299 = arith.constant dense<0.000000e+00> : vector<32x384xf32>
    %reduce_sum3A_300 = vector.multi_reduction <add>, %exp3A_298, %reduce_sum3A_299 [0] : vector<8x32x384xf32> to vector<32x384xf32>
    %add3A_301 = arith.addf %add3A_268, %reduce_sum3A_300 : vector<32x384xf32>
    %iota3A_302 = tpu.iota {dimensions = array<i32: 0>} : vector<8x1x1xi32>
    %add3A_303 = arith.constant 64 : i32
    %add3A_304 = vector.broadcast %add3A_303 : i32 to vector<8x1x1xi32>
    %add3A_305 = arith.addi %iota3A_302, %add3A_304 : vector<8x1x1xi32>
    %convert_element_type3A_306 = arith.sitofp %add3A_305 : vector<8x1x1xi32> to vector<8x1x1xf32>
    %broadcast_in_dim3A_307 = vector.shape_cast %div3A_20 : vector<32x384xf32> to vector<1x32x384xf32>
    %sub3A_308 = vector.broadcast %broadcast_in_dim3A_307 : vector<1x32x384xf32> to vector<8x32x384xf32>
    %sub3A_309 = vector.broadcast %convert_element_type3A_306 : vector<8x1x1xf32> to vector<8x32x384xf32>
    %sub3A_310 = arith.subf %sub3A_308, %sub3A_309 : vector<8x32x384xf32>
    %abs3A_311 = math.absf %sub3A_310 : vector<8x32x384xf32>
    %sub3A_312 = arith.constant 1.000000e+00 : f32
    %sub3A_313 = vector.broadcast %sub3A_312 : f32 to vector<8x32x384xf32>
    %sub3A_314 = arith.subf %sub3A_313, %abs3A_311 : vector<8x32x384xf32>
    %max3A_315 = arith.constant 0.000000e+00 : f32
    %max3A_316 = vector.broadcast %max3A_315 : f32 to vector<8x32x384xf32>
    %max3A_317 = arith.maximumf %sub3A_314, %max3A_316 : vector<8x32x384xf32>
    %mul3A_318 = arith.mulf %get3A_294, %max3A_317 : vector<8x32x384xf32>
    %reduce_sum3A_319 = arith.constant dense<0.000000e+00> : vector<32x384xf32>
    %reduce_sum3A_320 = vector.multi_reduction <add>, %mul3A_318, %reduce_sum3A_319 [0] : vector<8x32x384xf32> to vector<32x384xf32>
    %add3A_321 = arith.addf %add3A_288, %reduce_sum3A_320 : vector<32x384xf32>
    %get3A_322 = arith.constant 0 : index
    %get3A_323 = arith.constant 72 : index
    %get3A_324 = arith.constant 0 : index
    %get3A_325 = arith.constant 0 : index
    %get3A_326 = vector.load %arg4[%get3A_322, %get3A_323, %get3A_324, %get3A_325] : memref<1x128x32x384xf32, #tpu.memory_space<vmem>>, vector<1x8x32x384xf32>
    %get3A_327 = vector.shape_cast %get3A_326 : vector<1x8x32x384xf32> to vector<8x32x384xf32>
    %broadcast_in_dim3A_328 = vector.shape_cast %reduce_max3A_27 : vector<32x384xf32> to vector<1x32x384xf32>
    %sub3A_329 = vector.broadcast %broadcast_in_dim3A_328 : vector<1x32x384xf32> to vector<8x32x384xf32>
    %sub3A_330 = arith.subf %get3A_327, %sub3A_329 : vector<8x32x384xf32>
    %exp3A_331 = math.exp %sub3A_330 : vector<8x32x384xf32>
    %reduce_sum3A_332 = arith.constant dense<0.000000e+00> : vector<32x384xf32>
    %reduce_sum3A_333 = vector.multi_reduction <add>, %exp3A_331, %reduce_sum3A_332 [0] : vector<8x32x384xf32> to vector<32x384xf32>
    %add3A_334 = arith.addf %add3A_301, %reduce_sum3A_333 : vector<32x384xf32>
    %iota3A_335 = tpu.iota {dimensions = array<i32: 0>} : vector<8x1x1xi32>
    %add3A_336 = arith.constant 72 : i32
    %add3A_337 = vector.broadcast %add3A_336 : i32 to vector<8x1x1xi32>
    %add3A_338 = arith.addi %iota3A_335, %add3A_337 : vector<8x1x1xi32>
    %convert_element_type3A_339 = arith.sitofp %add3A_338 : vector<8x1x1xi32> to vector<8x1x1xf32>
    %broadcast_in_dim3A_340 = vector.shape_cast %div3A_20 : vector<32x384xf32> to vector<1x32x384xf32>
    %sub3A_341 = vector.broadcast %broadcast_in_dim3A_340 : vector<1x32x384xf32> to vector<8x32x384xf32>
    %sub3A_342 = vector.broadcast %convert_element_type3A_339 : vector<8x1x1xf32> to vector<8x32x384xf32>
    %sub3A_343 = arith.subf %sub3A_341, %sub3A_342 : vector<8x32x384xf32>
    %abs3A_344 = math.absf %sub3A_343 : vector<8x32x384xf32>
    %sub3A_345 = arith.constant 1.000000e+00 : f32
    %sub3A_346 = vector.broadcast %sub3A_345 : f32 to vector<8x32x384xf32>
    %sub3A_347 = arith.subf %sub3A_346, %abs3A_344 : vector<8x32x384xf32>
    %max3A_348 = arith.constant 0.000000e+00 : f32
    %max3A_349 = vector.broadcast %max3A_348 : f32 to vector<8x32x384xf32>
    %max3A_350 = arith.maximumf %sub3A_347, %max3A_349 : vector<8x32x384xf32>
    %mul3A_351 = arith.mulf %get3A_327, %max3A_350 : vector<8x32x384xf32>
    %reduce_sum3A_352 = arith.constant dense<0.000000e+00> : vector<32x384xf32>
    %reduce_sum3A_353 = vector.multi_reduction <add>, %mul3A_351, %reduce_sum3A_352 [0] : vector<8x32x384xf32> to vector<32x384xf32>
    %add3A_354 = arith.addf %add3A_321, %reduce_sum3A_353 : vector<32x384xf32>
    %get3A_355 = arith.constant 0 : index
    %get3A_356 = arith.constant 80 : index
    %get3A_357 = arith.constant 0 : index
    %get3A_358 = arith.constant 0 : index
    %get3A_359 = vector.load %arg4[%get3A_355, %get3A_356, %get3A_357, %get3A_358] : memref<1x128x32x384xf32, #tpu.memory_space<vmem>>, vector<1x8x32x384xf32>
    %get3A_360 = vector.shape_cast %get3A_359 : vector<1x8x32x384xf32> to vector<8x32x384xf32>
    %broadcast_in_dim3A_361 = vector.shape_cast %reduce_max3A_27 : vector<32x384xf32> to vector<1x32x384xf32>
    %sub3A_362 = vector.broadcast %broadcast_in_dim3A_361 : vector<1x32x384xf32> to vector<8x32x384xf32>
    %sub3A_363 = arith.subf %get3A_360, %sub3A_362 : vector<8x32x384xf32>
    %exp3A_364 = math.exp %sub3A_363 : vector<8x32x384xf32>
    %reduce_sum3A_365 = arith.constant dense<0.000000e+00> : vector<32x384xf32>
    %reduce_sum3A_366 = vector.multi_reduction <add>, %exp3A_364, %reduce_sum3A_365 [0] : vector<8x32x384xf32> to vector<32x384xf32>
    %add3A_367 = arith.addf %add3A_334, %reduce_sum3A_366 : vector<32x384xf32>
    %iota3A_368 = tpu.iota {dimensions = array<i32: 0>} : vector<8x1x1xi32>
    %add3A_369 = arith.constant 80 : i32
    %add3A_370 = vector.broadcast %add3A_369 : i32 to vector<8x1x1xi32>
    %add3A_371 = arith.addi %iota3A_368, %add3A_370 : vector<8x1x1xi32>
    %convert_element_type3A_372 = arith.sitofp %add3A_371 : vector<8x1x1xi32> to vector<8x1x1xf32>
    %broadcast_in_dim3A_373 = vector.shape_cast %div3A_20 : vector<32x384xf32> to vector<1x32x384xf32>
    %sub3A_374 = vector.broadcast %broadcast_in_dim3A_373 : vector<1x32x384xf32> to vector<8x32x384xf32>
    %sub3A_375 = vector.broadcast %convert_element_type3A_372 : vector<8x1x1xf32> to vector<8x32x384xf32>
    %sub3A_376 = arith.subf %sub3A_374, %sub3A_375 : vector<8x32x384xf32>
    %abs3A_377 = math.absf %sub3A_376 : vector<8x32x384xf32>
    %sub3A_378 = arith.constant 1.000000e+00 : f32
    %sub3A_379 = vector.broadcast %sub3A_378 : f32 to vector<8x32x384xf32>
    %sub3A_380 = arith.subf %sub3A_379, %abs3A_377 : vector<8x32x384xf32>
    %max3A_381 = arith.constant 0.000000e+00 : f32
    %max3A_382 = vector.broadcast %max3A_381 : f32 to vector<8x32x384xf32>
    %max3A_383 = arith.maximumf %sub3A_380, %max3A_382 : vector<8x32x384xf32>
    %mul3A_384 = arith.mulf %get3A_360, %max3A_383 : vector<8x32x384xf32>
    %reduce_sum3A_385 = arith.constant dense<0.000000e+00> : vector<32x384xf32>
    %reduce_sum3A_386 = vector.multi_reduction <add>, %mul3A_384, %reduce_sum3A_385 [0] : vector<8x32x384xf32> to vector<32x384xf32>
    %add3A_387 = arith.addf %add3A_354, %reduce_sum3A_386 : vector<32x384xf32>
    %get3A_388 = arith.constant 0 : index
    %get3A_389 = arith.constant 88 : index
    %get3A_390 = arith.constant 0 : index
    %get3A_391 = arith.constant 0 : index
    %get3A_392 = vector.load %arg4[%get3A_388, %get3A_389, %get3A_390, %get3A_391] : memref<1x128x32x384xf32, #tpu.memory_space<vmem>>, vector<1x8x32x384xf32>
    %get3A_393 = vector.shape_cast %get3A_392 : vector<1x8x32x384xf32> to vector<8x32x384xf32>
    %broadcast_in_dim3A_394 = vector.shape_cast %reduce_max3A_27 : vector<32x384xf32> to vector<1x32x384xf32>
    %sub3A_395 = vector.broadcast %broadcast_in_dim3A_394 : vector<1x32x384xf32> to vector<8x32x384xf32>
    %sub3A_396 = arith.subf %get3A_393, %sub3A_395 : vector<8x32x384xf32>
    %exp3A_397 = math.exp %sub3A_396 : vector<8x32x384xf32>
    %reduce_sum3A_398 = arith.constant dense<0.000000e+00> : vector<32x384xf32>
    %reduce_sum3A_399 = vector.multi_reduction <add>, %exp3A_397, %reduce_sum3A_398 [0] : vector<8x32x384xf32> to vector<32x384xf32>
    %add3A_400 = arith.addf %add3A_367, %reduce_sum3A_399 : vector<32x384xf32>
    %iota3A_401 = tpu.iota {dimensions = array<i32: 0>} : vector<8x1x1xi32>
    %add3A_402 = arith.constant 88 : i32
    %add3A_403 = vector.broadcast %add3A_402 : i32 to vector<8x1x1xi32>
    %add3A_404 = arith.addi %iota3A_401, %add3A_403 : vector<8x1x1xi32>
    %convert_element_type3A_405 = arith.sitofp %add3A_404 : vector<8x1x1xi32> to vector<8x1x1xf32>
    %broadcast_in_dim3A_406 = vector.shape_cast %div3A_20 : vector<32x384xf32> to vector<1x32x384xf32>
    %sub3A_407 = vector.broadcast %broadcast_in_dim3A_406 : vector<1x32x384xf32> to vector<8x32x384xf32>
    %sub3A_408 = vector.broadcast %convert_element_type3A_405 : vector<8x1x1xf32> to vector<8x32x384xf32>
    %sub3A_409 = arith.subf %sub3A_407, %sub3A_408 : vector<8x32x384xf32>
    %abs3A_410 = math.absf %sub3A_409 : vector<8x32x384xf32>
    %sub3A_411 = arith.constant 1.000000e+00 : f32
    %sub3A_412 = vector.broadcast %sub3A_411 : f32 to vector<8x32x384xf32>
    %sub3A_413 = arith.subf %sub3A_412, %abs3A_410 : vector<8x32x384xf32>
    %max3A_414 = arith.constant 0.000000e+00 : f32
    %max3A_415 = vector.broadcast %max3A_414 : f32 to vector<8x32x384xf32>
    %max3A_416 = arith.maximumf %sub3A_413, %max3A_415 : vector<8x32x384xf32>
    %mul3A_417 = arith.mulf %get3A_393, %max3A_416 : vector<8x32x384xf32>
    %reduce_sum3A_418 = arith.constant dense<0.000000e+00> : vector<32x384xf32>
    %reduce_sum3A_419 = vector.multi_reduction <add>, %mul3A_417, %reduce_sum3A_418 [0] : vector<8x32x384xf32> to vector<32x384xf32>
    %add3A_420 = arith.addf %add3A_387, %reduce_sum3A_419 : vector<32x384xf32>
    %get3A_421 = arith.constant 0 : index
    %get3A_422 = arith.constant 96 : index
    %get3A_423 = arith.constant 0 : index
    %get3A_424 = arith.constant 0 : index
    %get3A_425 = vector.load %arg4[%get3A_421, %get3A_422, %get3A_423, %get3A_424] : memref<1x128x32x384xf32, #tpu.memory_space<vmem>>, vector<1x8x32x384xf32>
    %get3A_426 = vector.shape_cast %get3A_425 : vector<1x8x32x384xf32> to vector<8x32x384xf32>
    %broadcast_in_dim3A_427 = vector.shape_cast %reduce_max3A_27 : vector<32x384xf32> to vector<1x32x384xf32>
    %sub3A_428 = vector.broadcast %broadcast_in_dim3A_427 : vector<1x32x384xf32> to vector<8x32x384xf32>
    %sub3A_429 = arith.subf %get3A_426, %sub3A_428 : vector<8x32x384xf32>
    %exp3A_430 = math.exp %sub3A_429 : vector<8x32x384xf32>
    %reduce_sum3A_431 = arith.constant dense<0.000000e+00> : vector<32x384xf32>
    %reduce_sum3A_432 = vector.multi_reduction <add>, %exp3A_430, %reduce_sum3A_431 [0] : vector<8x32x384xf32> to vector<32x384xf32>
    %add3A_433 = arith.addf %add3A_400, %reduce_sum3A_432 : vector<32x384xf32>
    %iota3A_434 = tpu.iota {dimensions = array<i32: 0>} : vector<8x1x1xi32>
    %add3A_435 = arith.constant 96 : i32
    %add3A_436 = vector.broadcast %add3A_435 : i32 to vector<8x1x1xi32>
    %add3A_437 = arith.addi %iota3A_434, %add3A_436 : vector<8x1x1xi32>
    %convert_element_type3A_438 = arith.sitofp %add3A_437 : vector<8x1x1xi32> to vector<8x1x1xf32>
    %broadcast_in_dim3A_439 = vector.shape_cast %div3A_20 : vector<32x384xf32> to vector<1x32x384xf32>
    %sub3A_440 = vector.broadcast %broadcast_in_dim3A_439 : vector<1x32x384xf32> to vector<8x32x384xf32>
    %sub3A_441 = vector.broadcast %convert_element_type3A_438 : vector<8x1x1xf32> to vector<8x32x384xf32>
    %sub3A_442 = arith.subf %sub3A_440, %sub3A_441 : vector<8x32x384xf32>
    %abs3A_443 = math.absf %sub3A_442 : vector<8x32x384xf32>
    %sub3A_444 = arith.constant 1.000000e+00 : f32
    %sub3A_445 = vector.broadcast %sub3A_444 : f32 to vector<8x32x384xf32>
    %sub3A_446 = arith.subf %sub3A_445, %abs3A_443 : vector<8x32x384xf32>
    %max3A_447 = arith.constant 0.000000e+00 : f32
    %max3A_448 = vector.broadcast %max3A_447 : f32 to vector<8x32x384xf32>
    %max3A_449 = arith.maximumf %sub3A_446, %max3A_448 : vector<8x32x384xf32>
    %mul3A_450 = arith.mulf %get3A_426, %max3A_449 : vector<8x32x384xf32>
    %reduce_sum3A_451 = arith.constant dense<0.000000e+00> : vector<32x384xf32>
    %reduce_sum3A_452 = vector.multi_reduction <add>, %mul3A_450, %reduce_sum3A_451 [0] : vector<8x32x384xf32> to vector<32x384xf32>
    %add3A_453 = arith.addf %add3A_420, %reduce_sum3A_452 : vector<32x384xf32>
    %get3A_454 = arith.constant 0 : index
    %get3A_455 = arith.constant 104 : index
    %get3A_456 = arith.constant 0 : index
    %get3A_457 = arith.constant 0 : index
    %get3A_458 = vector.load %arg4[%get3A_454, %get3A_455, %get3A_456, %get3A_457] : memref<1x128x32x384xf32, #tpu.memory_space<vmem>>, vector<1x8x32x384xf32>
    %get3A_459 = vector.shape_cast %get3A_458 : vector<1x8x32x384xf32> to vector<8x32x384xf32>
    %broadcast_in_dim3A_460 = vector.shape_cast %reduce_max3A_27 : vector<32x384xf32> to vector<1x32x384xf32>
    %sub3A_461 = vector.broadcast %broadcast_in_dim3A_460 : vector<1x32x384xf32> to vector<8x32x384xf32>
    %sub3A_462 = arith.subf %get3A_459, %sub3A_461 : vector<8x32x384xf32>
    %exp3A_463 = math.exp %sub3A_462 : vector<8x32x384xf32>
    %reduce_sum3A_464 = arith.constant dense<0.000000e+00> : vector<32x384xf32>
    %reduce_sum3A_465 = vector.multi_reduction <add>, %exp3A_463, %reduce_sum3A_464 [0] : vector<8x32x384xf32> to vector<32x384xf32>
    %add3A_466 = arith.addf %add3A_433, %reduce_sum3A_465 : vector<32x384xf32>
    %iota3A_467 = tpu.iota {dimensions = array<i32: 0>} : vector<8x1x1xi32>
    %add3A_468 = arith.constant 104 : i32
    %add3A_469 = vector.broadcast %add3A_468 : i32 to vector<8x1x1xi32>
    %add3A_470 = arith.addi %iota3A_467, %add3A_469 : vector<8x1x1xi32>
    %convert_element_type3A_471 = arith.sitofp %add3A_470 : vector<8x1x1xi32> to vector<8x1x1xf32>
    %broadcast_in_dim3A_472 = vector.shape_cast %div3A_20 : vector<32x384xf32> to vector<1x32x384xf32>
    %sub3A_473 = vector.broadcast %broadcast_in_dim3A_472 : vector<1x32x384xf32> to vector<8x32x384xf32>
    %sub3A_474 = vector.broadcast %convert_element_type3A_471 : vector<8x1x1xf32> to vector<8x32x384xf32>
    %sub3A_475 = arith.subf %sub3A_473, %sub3A_474 : vector<8x32x384xf32>
    %abs3A_476 = math.absf %sub3A_475 : vector<8x32x384xf32>
    %sub3A_477 = arith.constant 1.000000e+00 : f32
    %sub3A_478 = vector.broadcast %sub3A_477 : f32 to vector<8x32x384xf32>
    %sub3A_479 = arith.subf %sub3A_478, %abs3A_476 : vector<8x32x384xf32>
    %max3A_480 = arith.constant 0.000000e+00 : f32
    %max3A_481 = vector.broadcast %max3A_480 : f32 to vector<8x32x384xf32>
    %max3A_482 = arith.maximumf %sub3A_479, %max3A_481 : vector<8x32x384xf32>
    %mul3A_483 = arith.mulf %get3A_459, %max3A_482 : vector<8x32x384xf32>
    %reduce_sum3A_484 = arith.constant dense<0.000000e+00> : vector<32x384xf32>
    %reduce_sum3A_485 = vector.multi_reduction <add>, %mul3A_483, %reduce_sum3A_484 [0] : vector<8x32x384xf32> to vector<32x384xf32>
    %add3A_486 = arith.addf %add3A_453, %reduce_sum3A_485 : vector<32x384xf32>
    %get3A_487 = arith.constant 0 : index
    %get3A_488 = arith.constant 112 : index
    %get3A_489 = arith.constant 0 : index
    %get3A_490 = arith.constant 0 : index
    %get3A_491 = vector.load %arg4[%get3A_487, %get3A_488, %get3A_489, %get3A_490] : memref<1x128x32x384xf32, #tpu.memory_space<vmem>>, vector<1x8x32x384xf32>
    %get3A_492 = vector.shape_cast %get3A_491 : vector<1x8x32x384xf32> to vector<8x32x384xf32>
    %broadcast_in_dim3A_493 = vector.shape_cast %reduce_max3A_27 : vector<32x384xf32> to vector<1x32x384xf32>
    %sub3A_494 = vector.broadcast %broadcast_in_dim3A_493 : vector<1x32x384xf32> to vector<8x32x384xf32>
    %sub3A_495 = arith.subf %get3A_492, %sub3A_494 : vector<8x32x384xf32>
    %exp3A_496 = math.exp %sub3A_495 : vector<8x32x384xf32>
    %reduce_sum3A_497 = arith.constant dense<0.000000e+00> : vector<32x384xf32>
    %reduce_sum3A_498 = vector.multi_reduction <add>, %exp3A_496, %reduce_sum3A_497 [0] : vector<8x32x384xf32> to vector<32x384xf32>
    %add3A_499 = arith.addf %add3A_466, %reduce_sum3A_498 : vector<32x384xf32>
    %iota3A_500 = tpu.iota {dimensions = array<i32: 0>} : vector<8x1x1xi32>
    %add3A_501 = arith.constant 112 : i32
    %add3A_502 = vector.broadcast %add3A_501 : i32 to vector<8x1x1xi32>
    %add3A_503 = arith.addi %iota3A_500, %add3A_502 : vector<8x1x1xi32>
    %convert_element_type3A_504 = arith.sitofp %add3A_503 : vector<8x1x1xi32> to vector<8x1x1xf32>
    %broadcast_in_dim3A_505 = vector.shape_cast %div3A_20 : vector<32x384xf32> to vector<1x32x384xf32>
    %sub3A_506 = vector.broadcast %broadcast_in_dim3A_505 : vector<1x32x384xf32> to vector<8x32x384xf32>
    %sub3A_507 = vector.broadcast %convert_element_type3A_504 : vector<8x1x1xf32> to vector<8x32x384xf32>
    %sub3A_508 = arith.subf %sub3A_506, %sub3A_507 : vector<8x32x384xf32>
    %abs3A_509 = math.absf %sub3A_508 : vector<8x32x384xf32>
    %sub3A_510 = arith.constant 1.000000e+00 : f32
    %sub3A_511 = vector.broadcast %sub3A_510 : f32 to vector<8x32x384xf32>
    %sub3A_512 = arith.subf %sub3A_511, %abs3A_509 : vector<8x32x384xf32>
    %max3A_513 = arith.constant 0.000000e+00 : f32
    %max3A_514 = vector.broadcast %max3A_513 : f32 to vector<8x32x384xf32>
    %max3A_515 = arith.maximumf %sub3A_512, %max3A_514 : vector<8x32x384xf32>
    %mul3A_516 = arith.mulf %get3A_492, %max3A_515 : vector<8x32x384xf32>
    %reduce_sum3A_517 = arith.constant dense<0.000000e+00> : vector<32x384xf32>
    %reduce_sum3A_518 = vector.multi_reduction <add>, %mul3A_516, %reduce_sum3A_517 [0] : vector<8x32x384xf32> to vector<32x384xf32>
    %add3A_519 = arith.addf %add3A_486, %reduce_sum3A_518 : vector<32x384xf32>
    %get3A_520 = arith.constant 0 : index
    %get3A_521 = arith.constant 120 : index
    %get3A_522 = arith.constant 0 : index
    %get3A_523 = arith.constant 0 : index
    %get3A_524 = vector.load %arg4[%get3A_520, %get3A_521, %get3A_522, %get3A_523] : memref<1x128x32x384xf32, #tpu.memory_space<vmem>>, vector<1x8x32x384xf32>
    %get3A_525 = vector.shape_cast %get3A_524 : vector<1x8x32x384xf32> to vector<8x32x384xf32>
    %broadcast_in_dim3A_526 = vector.shape_cast %reduce_max3A_27 : vector<32x384xf32> to vector<1x32x384xf32>
    %sub3A_527 = vector.broadcast %broadcast_in_dim3A_526 : vector<1x32x384xf32> to vector<8x32x384xf32>
    %sub3A_528 = arith.subf %get3A_525, %sub3A_527 : vector<8x32x384xf32>
    %exp3A_529 = math.exp %sub3A_528 : vector<8x32x384xf32>
    %reduce_sum3A_530 = arith.constant dense<0.000000e+00> : vector<32x384xf32>
    %reduce_sum3A_531 = vector.multi_reduction <add>, %exp3A_529, %reduce_sum3A_530 [0] : vector<8x32x384xf32> to vector<32x384xf32>
    %add3A_532 = arith.addf %add3A_499, %reduce_sum3A_531 : vector<32x384xf32>
    %iota3A_533 = tpu.iota {dimensions = array<i32: 0>} : vector<8x1x1xi32>
    %add3A_534 = arith.constant 120 : i32
    %add3A_535 = vector.broadcast %add3A_534 : i32 to vector<8x1x1xi32>
    %add3A_536 = arith.addi %iota3A_533, %add3A_535 : vector<8x1x1xi32>
    %convert_element_type3A_537 = arith.sitofp %add3A_536 : vector<8x1x1xi32> to vector<8x1x1xf32>
    %broadcast_in_dim3A_538 = vector.shape_cast %div3A_20 : vector<32x384xf32> to vector<1x32x384xf32>
    %sub3A_539 = vector.broadcast %broadcast_in_dim3A_538 : vector<1x32x384xf32> to vector<8x32x384xf32>
    %sub3A_540 = vector.broadcast %convert_element_type3A_537 : vector<8x1x1xf32> to vector<8x32x384xf32>
    %sub3A_541 = arith.subf %sub3A_539, %sub3A_540 : vector<8x32x384xf32>
    %abs3A_542 = math.absf %sub3A_541 : vector<8x32x384xf32>
    %sub3A_543 = arith.constant 1.000000e+00 : f32
    %sub3A_544 = vector.broadcast %sub3A_543 : f32 to vector<8x32x384xf32>
    %sub3A_545 = arith.subf %sub3A_544, %abs3A_542 : vector<8x32x384xf32>
    %max3A_546 = arith.constant 0.000000e+00 : f32
    %max3A_547 = vector.broadcast %max3A_546 : f32 to vector<8x32x384xf32>
    %max3A_548 = arith.maximumf %sub3A_545, %max3A_547 : vector<8x32x384xf32>
    %mul3A_549 = arith.mulf %get3A_525, %max3A_548 : vector<8x32x384xf32>
    %reduce_sum3A_550 = arith.constant dense<0.000000e+00> : vector<32x384xf32>
    %reduce_sum3A_551 = vector.multi_reduction <add>, %mul3A_549, %reduce_sum3A_550 [0] : vector<8x32x384xf32> to vector<32x384xf32>
    %add3A_552 = arith.addf %add3A_519, %reduce_sum3A_551 : vector<32x384xf32>
    %log3A = math.log %add3A_532 : vector<32x384xf32>
    %add3A_553 = arith.addf %reduce_max3A_27, %log3A : vector<32x384xf32>
    %get3A_554 = arith.constant 0 : index
    %get3A_555 = memref.load %arg5[%get3A_554] : memref<1xf32, #tpu.memory_space<smem>>
    %sub3A_556 = arith.subf %add3A_553, %add3A_552 : vector<32x384xf32>
    %mul3A_557 = arith.mulf %sub3A_556, %select_n3A : vector<32x384xf32>
    %reduce_sum3A_558 = vector.shape_cast %mul3A_557 : vector<32x384xf32> to vector<1x32x384xf32>
    %reduce_sum3A_559 = arith.constant dense<0.000000e+00> : vector<1xf32>
    %reduce_sum3A_560 = vector.multi_reduction <add>, %reduce_sum3A_558, %reduce_sum3A_559 [1, 2] : vector<1x32x384xf32> to vector<1xf32>
    %reduce_sum3A_561 = vector.shape_cast %reduce_sum3A_560 : vector<1xf32> to vector<1x1x1xf32>
    %reduce_sum3A_562 = vector.extract %reduce_sum3A_561[0, 0, 0] : f32 from vector<1x1x1xf32>
    %add3A_563 = arith.addf %get3A_555, %reduce_sum3A_562 : f32
    %swap3A = arith.constant 0 : index
    %swap3A_564 = memref.load %arg5[%swap3A] : memref<1xf32, #tpu.memory_space<smem>>
    memref.store %add3A_563, %arg5[%swap3A] : memref<1xf32, #tpu.memory_space<smem>>
    return
  }
  func.func @transform_0(%arg0: i32, %arg1: i32) -> (i32, i32, i32) {
    %c0_i32 = arith.constant 0 : i32
    %c0_i32_0 = arith.constant 0 : i32
    return %arg0, %arg1, %c0_i32 : i32, i32, i32
  }
  func.func @transform_1(%arg0: i32, %arg1: i32) -> (i32, i32, i32) {
    %c0_i32 = arith.constant 0 : i32
    %c0_i32_0 = arith.constant 0 : i32
    return %arg0, %arg1, %c0_i32 : i32, i32, i32
  }
  func.func @transform_2(%arg0: i32, %arg1: i32) -> (i32, i32, i32, i32) {
    %c0_i32 = arith.constant 0 : i32
    %c0_i32_0 = arith.constant 0 : i32
    %c0_i32_1 = arith.constant 0 : i32
    return %arg0, %c0_i32, %arg1, %c0_i32_0 : i32, i32, i32, i32
  }
  func.func @transform_3(%arg0: i32, %arg1: i32) -> i32 {
    %c0_i32 = arith.constant 0 : i32
    %c0_i32_0 = arith.constant 0 : i32
    return %c0_i32 : i32
  }
}

</mosaic_0001>

<sc_bundles>
// kernel: kernel.4.cloned.1.call-start
scs
__scs_entry_jumppad:
0x0: {  	(pc) =	sbr.rel $0x88, $3  }
0x1: {  	(tag) =	ssettag $0x0;
	lr =	simm.s32 $0x1  }
0x2: {  	[smem:$0x3F9D] =	sst lr;
	_ =	strace $0xD0000000  }
0x3: {  	_ = 	snop  }
0x4: {  	_ = 	snop  }
0x5: {  	_ = 	snop  }
0x6: {  	_ = 	snop  }
0x7: {  	_ = 	snop  }
__scs_overlays_trampoline_lowered:
0x8: {  	[smem:$0x3FAC] =	sst s0  }
0x9: {  	[smem:$0x3FAD] =	sst s1  }
0xa: {  	[smem:$0x3FAE] =	sst s2  }
0xb: {  	[smem:$0x3FAF] =	sst s3  }
0xc: {  	[smem:$0x3FB0] =	sst s4  }
0xd: {  	[smem:$0x3FB1] =	sst s5  }
0xe: {  	[smem:$0x3FB2] =	sst s6  }
0xf: {  	[smem:$0x3FB3] =	sst s7  }
0x10: {  	[smem:$0x3FB4] =	sst s8  }
0x11: {  	[smem:$0x3FB5] =	sst s9;
	s0 =	simm.s32 @!p0 $0x0  }
0x12: {  	s1 =	sld [smem:$0x3F9B];
	s0 =	simm.s32 @p0 $0x1  }
0x13: {  	[smem:$0x3FB6] =	sst s0;
	s0 =	simm.s32 @!p1 $0x0  }
0x14: {  	s2 =	sld [smem:$0x3F9A];
	s0 =	simm.s32 @p1 $0x1  }
0x15: {  	[smem:$0x3FB7] =	sst s0;
	s0 =	simm.s32 @!p2 $0x0  }
0x16: {  	s3 =	sld [smem:$0x3FDB];
	s0 =	simm.s32 @p2 $0x1  }
0x17: {  	s4 =	simm.s32 $0x1BF5;
	[smem:$0x3FB9] =	sst s0  }
0x18: {  	s0 =	sld [smem:$0x3F9C];
	_ =	swait.ge [sflag:s4], $0x0  }
0x19: {  	s7 =	sld [smem:$0x3F9D]  }
0x1a: {  	s8 =	sadd.s32 $0xFFFFE003, lr  }
0x1b: {  	s9 =	sadd.s32 $0xFFFFFEF7, lr;
	s5 =	simm.s32 $0xFFFFFFFF;
	p2 =	slt.u32 s8, $0xFFFFF086  }
0x1c: {  	p1 =	slt.u32 s9, $0xF7A;
	s5 =	simm.s32 @!p2 $0x0  }
0x1d: {  	s5 =	simm.s32 @p1 $0x1;
	p0 =	seq.s32 s7, s2  }
0x1e: {  	s7 =	smul.u32 @!p0 $0xF7A, s2;
	p2 =	seq.s32 @!p0 s5, $0x0  }
0x1f: {  	s9 =	smul.u32 $0xF7A, s1;
	s8 =	simm.s32 @!p0 $0x1BF5;
	p2 =	por !p2, p0  }
0x20: {  	[sflag:s8] =	ssyncset.s32 @!p0 $0xFFFFF086;
	s6 =	sadd.s32 @!p0 s3, s7;
	s7 =	simm.s32 @!p0 $0x108  }
0x21: {  	s3 =	sadd.s32 s3, s9;
	s6 =	sadd.s32 @!p0 $0x88, s6;
	s7 =	simm.s32 @p2 $0x1082  }
0x22: {  	[simem:s7], [sflag:s8] =	dma.local @!p0 [hbm:s6], $0xF7A  }
0x23: {  	s9 =	sor.u32 $0xD0000000, s2;
	s6 =	simm.s32 $0x108;
	_ =	swait.ge @!p0 [sflag:s8], $0x0  }
0x24: {  	s3 =	sadd.s32 $0x88, s3;
	s6 =	simm.s32 @!p1 $0x1082;
	[sflag:s4] =	ssyncset.s32 $0xFFFFF086  }
0x25: {  	[simem:s6], [sflag:s4] =	dma.local [hbm:s3], $0xF7A  }
0x26: {  	[smem:$0x3F9D] =	sst s1;
	(tag) =	ssettag s2;
	_ =	strace s9  }
0x27: {  	s1 =	sld [smem:$0x3FAD]  }
0x28: {  	s2 =	sld [smem:$0x3FAE]  }
0x29: {  	s4 =	sld [smem:$0x3FB0]  }
0x2a: {  	p0 =	seq.s32 s5, $0x0;
	s5 =	sld [smem:$0x3FB1]  }
0x2b: {  	s6 =	sld [smem:$0x3FB2]  }
0x2c: {  	s7 =	sld [smem:$0x3FB3]  }
0x2d: {  	s3 =	simm.s32 $0x108;
	s8 =	sld [smem:$0x3FB4]  }
0x2e: {  	s3 =	simm.s32 @!p0 $0x1082;
	s9 =	sld [smem:$0x3FB5]  }
0x2f: {  	lr =	sadd.s32 s0, s3;
	s0 =	sld [smem:$0x3FAC]  }
0x30: {  	s3 =	sld [smem:$0x3FAF]  }
0x31: {  	[smem:$0x3FB8] =	sst s10  }
0x32: {  	s10 =	sld [smem:$0x3FB6];
	_ =	sdelay $0x3  }
0x33: {  	p0 =	seq.s32 s10, $0x1;
	s10 =	sld [smem:$0x3FB8];
	_ =	sdelay $0x3  }
0x34: {  	[smem:$0x3FB8] =	sst s10  }
0x35: {  	s10 =	sld [smem:$0x3FB7];
	_ =	sdelay $0x3  }
0x36: {  	p1 =	seq.s32 s10, $0x1;
	s10 =	sld [smem:$0x3FB8];
	_ =	sdelay $0x3  }
0x37: {  	[smem:$0x3FB8] =	sst s10  }
0x38: {  	s10 =	sld [smem:$0x3FB9]  }
0x39: {  	_ = 	snop;
	(pc) =	sbr.ind lr, $3  }
0x3a: {  	_ = 	snop  }
0x3b: {  	_ = 	snop  }
0x3c: {  	p2 =	seq.s32 s10, $0x1;
	s10 =	sld [smem:$0x3FB8]  }
0x3d: {  	_ =	shalt  }
0x3e: {  	_ =	shalt  }
0x3f: {  	_ =	shalt  }
0x40: {  	_ =	shalt  }
0x41: {  	_ =	shalt  }
0x42: {  	_ =	shalt  }
0x43: {  	_ =	shalt  }
0x44: {  	_ =	shalt  }
0x45: {  	_ =	shalt  }
0x46: {  	_ =	shalt  }
0x47: {  	_ =	shalt  }
0x48: {  	_ =	shalt  }
0x49: {  	_ =	shalt  }
0x4a: {  	_ =	shalt  }
0x4b: {  	_ =	shalt  }
0x4c: {  	_ =	shalt  }
0x4d: {  	_ =	shalt  }
0x4e: {  	_ =	shalt  }
0x4f: {  	_ =	shalt  }
0x50: {  	_ =	shalt  }
0x51: {  	_ =	shalt  }
0x52: {  	_ =	shalt  }
0x53: {  	_ =	shalt  }
0x54: {  	_ =	shalt  }
0x55: {  	_ =	shalt  }
0x56: {  	_ =	shalt  }
0x57: {  	_ =	shalt  }
0x58: {  	_ =	shalt  }
0x59: {  	_ =	shalt  }
0x5a: {  	_ =	shalt  }
0x5b: {  	_ =	shalt  }
0x5c: {  	_ =	shalt  }
0x5d: {  	_ =	shalt  }
0x5e: {  	_ =	shalt  }
0x5f: {  	_ =	shalt  }
0x60: {  	_ =	shalt  }
0x61: {  	_ =	shalt  }
0x62: {  	_ =	shalt  }
0x63: {  	_ =	shalt  }
0x64: {  	_ =	shalt  }
0x65: {  	_ =	shalt  }
0x66: {  	_ =	shalt  }
0x67: {  	_ =	shalt  }
0x68: {  	_ =	shalt  }
0x69: {  	_ =	shalt  }
0x6a: {  	_ =	shalt  }
0x6b: {  	_ =	shalt  }
0x6c: {  	_ =	shalt  }
0x6d: {  	_ =	shalt  }
0x6e: {  	_ =	shalt  }
0x6f: {  	_ =	shalt  }
0x70: {  	_ =	shalt  }
0x71: {  	_ =	shalt  }
0x72: {  	_ =	shalt  }
0x73: {  	_ =	shalt  }
0x74: {  	_ =	shalt  }
0x75: {  	_ =	shalt  }
0x76: {  	_ =	shalt  }
0x77: {  	_ =	shalt  }
0x78: {  	_ =	shalt  }
0x79: {  	_ =	shalt  }
0x7a: {  	_ =	shalt  }
0x7b: {  	_ =	shalt  }
0x7c: {  	_ =	shalt  }
0x7d: {  	_ =	shalt  }
0x7e: {  	_ =	shalt  }
0x7f: {  	_ =	shalt  }
0x80: {  	_ =	shalt  }
0x81: {  	_ =	shalt  }
0x82: {  	_ =	shalt  }
0x83: {  	_ =	shalt  }
0x84: {  	_ =	shalt  }
0x85: {  	_ =	shalt  }
0x86: {  	_ =	shalt  }
0x87: {  	_ =	shalt  }
.Lfunc_end0:
.L_simem_size_0:
called_computation_lowered:
.L_overlay_start_0:
0x88: {  	s2 =	sld [smem:$0x3FD9]  }
0x89: {  	s3 =	sld [smem:$0x3FFE];
	_ =	sdelay $0x1  }
0x8a: {  	s1 =	srdreg.scid  }
0x8b: {  	s0 =	sand.u32 $0x1, s1  }
0x8c: {  	s16 =	sshll.u32 s0, $0xA;
	s2 =	sadd.s32 s3, s2  }
0x8d: {  	s2 =	sadd.s32 s2, s16  }
0x8e: {  	[smem:$0x3FC4] =	sst s2  }
0x8f: {  	_ = 	snop  }
0x90: {  	(tm) =	ssettm $0x1  }
0x91: {  	s17 =	sld [smem:$0x3FFB];
	_ =	sdelay $0x3  }
0x92: {  	_ =	strace s17  }
0x93: {  	s2 =	sld [smem:$0x3FFC];
	_ =	sdelay $0x3  }
0x94: {  	_ =	strace s2  }
0x95: {  	s2 =	sld [smem:$0x3FFD];
	_ =	sdelay $0x3  }
0x96: {  	_ =	strace s2  }
0x97: {  	_ =	strace $0x8FFFFFFF  }
0x98: {  	s18 =	sld [smem:$0x3FDB];
	_ =	sdelay $0x1  }
0x99: {  	s19 =	simm.s32 $_scs_section_size  }
0x9a: {  	s4 =	simm.s32 $_size__tile_overlayer_lowered;
	s5 =	simm.s32 $_tile_overlayer_lowered  }
0x9b: {  	s22 =	simm.s32 $0x1BFF;
	s21 =	sshll.u32 s5, $0x1;
	s2 =	sadd.s32 s19, s18  }
0x9c: {  	s6 =	simm.s32 $0x0;
	s20 =	sshll.u32 s4, $0x1;
	s4 =	sadd.s32 s21, s2  }
0x9d: {  	[timem:s6], [sflag:s22] =	dma.local [hbm:s4], s20  }
0x9e: {  	_ =	swait.ge [sflag:s22], s20  }
0x9f: {  	s3 =	ssub.s32 $0x0, s20;
	[sflag:s22] =	ssyncset.done $0x0  }
0xa0: {  	[sflag:s22] =	ssyncadd.s32 s3;
	_ =	sdelay $0x1  }
0xa1: {  	s23 =	simm.s32 $0x1B8B  }
0xa2: {  	_ =	swait.ge [sflag:s23], $0x1  }
0xa3: {  	[sflag:s23] =	ssyncset.done $0x0  }
0xa4: {  	s25 =	simm.s32 $0x1B8E;
	s24 =	sld [smem:$0x3FFE];
	[sflag:s23] =	ssyncadd.s32 $0xFFFFFFFF  }
0xa5: {  	s26 =	simm.s32 $execute0_lowered;
	[smem:$0x3FD2] =	sst s25  }
0xa6: {  	s4 =	sshll.u32 s26, $0x1;
	_ =	strace $0x80000046;
	[dreg:$0x1] =	wrdreg $0xFFFFFFFF  }
0xa7: {  	s28 =	simm.s32 $_size_execute0_lowered;
	s2 =	sadd.s32 s2, s4;
	[dreg:$0x0] =	wrdreg $0x0  }
0xa8: {  	s4 =	sshll.u32 s28, $0x1;
	[dreg:$0x2] =	wrdreg s2  }
0xa9: {  	[dreg:$0x3] =	wrdreg s4  }
0xaa: {  	[dreg:$0x4] =	wrdreg $0xC0  }
0xab: {  	_ =	task [dreg:s6], $0x5FFFF  }
0xac: {  	[dreg:$0x1] =	wrdreg $0xFFFFFFFF  }
0xad: {  	[dreg:$0x0] =	wrdreg $0x60  }
0xae: {  	[dreg:$0x2] =	wrdreg s24  }
0xaf: {  	[dreg:$0x3] =	wrdreg $0x9  }
0xb0: {  	_ =	task.clear_ibuf [dreg:s6], $0x4FFFF;
	_ =	strace $0x90000046  }
0xb1: {  	s29 =	simm.s32 $0x9;
	_ =	strace $0x80000048  }
0xb2: {  	_ =	swait.ge [sflag:s29], $0x1  }
0xb3: {  	[sflag:s29] =	ssyncadd.s32 $0xFFFFFFFF  }
0xb4: {  	_ =	strace $0x90000048  }
0xb5: {  	_ =	sfence  }
0xb6: {  	s30 =	sld [smem:$0x0];
	_ =	sdelay $0x2  }
0xb7: {  	s31 =	sshll.u32 s1, $0xD;
	s1 =	sshrl.u32 s1, $0x2  }
0xb8: {  	s3 =	sand.u32 $0x4000, s31;
	s1 =	sadd.s32 s1, s30  }
0xb9: {  	s0 =	sor.u32 s3, s0;
	s1 =	sshll.u32 s1, $0x11  }
0xba: {  	s0 =	sor.u32 s1, s0  }
0xbb: {  	s0 =	sadd.s32 $0x8F2B, s0  }
0xbc: {  	[sflag:s0] =	ssyncadd.remote.s32 $0x1  }
0xbd: {  	_ =	sfence.sel $0xFFFF  }
0xbe: {  	[dreg:$0x0] =	wrdreg $0xFFFFFFFF;
	(pc) =	sbr.abs _section_cstart, $3  }
0xbf: {  	[dreg:$0x1] =	wrdreg $0xFFFFFFFF  }
0xc0: {  	_ =	task.clear_ibuf [dreg:s6], $0x2FFFF;
	_ =	strace $0x9FFFFFFF  }
0xc1: {  	(tm) =	ssettm $0x7FFFFFFF  }
tec
execute0_lowered:
.L_overlay_start_1:
0x0: {  	(tag) =	ssettag $0x1  }
0x1: {  	s1 =	srdreg.scid  }
0x2: {  	s0 =	stileid.u32;
	s3 =	rddreg [dreg:$0x0]  }
0x3: {  	s2 =	simm.s32 $0x0;
	s9 =	simm.s32 $0x2400;
	s10 =	simm.s32 $0x4800  }
0x4: {  	s11 =	simm.s32 $0x6C00;
	s4 =	sand.u32 $0x1, s1;
	s5 =	sshll.u32 s0, $0x1  }
0x5: {  	s12 =	simm.s32 $0x0;
	s1 =	rddreg [dreg:$0x1];
	s5 =	sor.u32 s4, s5  }
0x6: {  	[smem:$0x7FF] =	sst s2;
	s4 =	ssub.s32 $0x2, s4;
	s6 =	smul.u32 $0x480, s5  }
0x7: {  	_ =	strace $0x80000047;
	s5 =	sshll.u32 s5, $0x5;
	s7 =	sshrl.u32 s4, $0x1  }
0x8: {  	s8 =	sadd.s32 s5, s3;
	s7 =	ssub.s32 s4, s7;
	s6 =	sadd.s32 s6, s3  }
0x9: {  	s7 =	smax.u32 s7, $0x1;
	s3 =	sadd.s32 $0x12600, s6;
	s4 =	sadd.s32 $0x9600, s6  }
0xa: {  	s5 =	sadd.s32 $0x600, s6;
	s6 =	sadd.s32 $0x1B600, s8;
	s8 =	simm.s32 $0x1  }
.LBB2_1:
0xb: {  	[tilespmem:s2], [sflag:$0x1] =	stream.linear.gather [hbm4b:s3+s2], $0x2400, $0x38;
	[tilespmem:$0x6D00] =	vst v63  }
0xc: {  	_ =	swait.ge [sflag:s8], $0x2400  }
0xd: {  	[sflag:s8] =	ssyncset.done $0x0  }
0xe: {  	[sflag:s8] =	ssyncadd.s32 $0xFFFFDC00  }
0xf: {  	[tilespmem:s9], [sflag:$0x1] =	stream.linear.gather [hbm4b:s4+s2], $0x2400, $0x38;
	[tilespmem:$0x6D00] =	vst v63  }
0x10: {  	_ =	swait.ge [sflag:s8], $0x2400  }
0x11: {  	[sflag:s8] =	ssyncset.done $0x0  }
0x12: {  	[sflag:s8] =	ssyncadd.s32 $0xFFFFDC00  }
0x13: {  	[tilespmem:s10], [sflag:$0x1] =	stream.linear.gather [hbm4b:s5+s2], $0x2400, $0x38;
	[tilespmem:$0x6D00] =	vst v63  }
0x14: {  	_ =	swait.ge [sflag:s8], $0x2400  }
0x15: {  	[sflag:s8] =	ssyncset.done $0x0  }
0x16: {  	s13 =	simm.s32 $0x0;
	[sflag:s8] =	ssyncadd.s32 $0xFFFFDC00  }
0x17: {  	v0 =	vld [tilespmem:s13+$0x0]  }
0x18: {  	v1 =	vld [tilespmem:s13+$0x2400];
	_ =	sdelay $0x1  }
0x19: {  	v2 =	vld [tilespmem:s13+$0x4800];
	_ =	sdelay $0x1  }
0x1a: {  	s14 =	simm.s32 $0x10  }
0x1b: {  	v4 =	vsub.f32 v1, v0;
	v1 =	vld [tilespmem:s14+$0x0]  }
0x1c: {  	v3 =	vld [tilespmem:s14+$0x2400];
	vm0 =	vlt.f32 v0, $3.840000000e+02  }
0x1d: {  	v0 =	vimm.f32 $0.0e+00;
	v2 =	vnsel vm0, $0x0, v2;
	v5 =	vand.u32 $0x7FFFFFFF, v4  }
0x1e: {  	s13 =	simm.s32 $0x80;
	v4 =	vld [tilespmem:s14+$0x4800];
	v5 =	vmul.f32 v5, v2;
	v2 =	vadd.f32 v2, v0  }
.LBB2_2:
0x1f: {  	p0 =	sne.s32 s13, $0x8FC0  }
.Ltmp0:
0x20: {  	s14 =	sshra.s32 s13, $0x2;
	v0 =	vadd.f32 v5, v0;
	v5 =	vmov v1;
	(pc) =	sbr.rel @p0 .LBB2_2-.Ltmp0, $4  }
0x21: {  	s13 =	sadd.s32 $0x40, s13;
	v1 =	vld [tilespmem:s14+$0x0];
	v6 =	vsub.f32 v3, v5  }
0x22: {  	vm0 =	vlt.f32 v5, $3.840000000e+02;
	v3 =	vld [tilespmem:s14+$0x2400]  }
0x23: {  	v7 =	vnsel vm0, $0x0, v4;
	v5 =	vand.u32 $0x7FFFFFFF, v6  }
0x24: {  	v4 =	vld [tilespmem:s14+$0x4800];
	v5 =	vmul.f32 v5, v7;
	v2 =	vadd.f32 v7, v2  }
0x25: {  	_ =	sdelay $0x1  }
0x26: {  	v3 =	vsub.f32 v3, v1  }
0x27: {  	vm0 =	vlt.f32 v1, $3.840000000e+02  }
0x28: {  	v1 =	vnsel vm0, $0x0, v4;
	v3 =	vand.u32 $0x7FFFFFFF, v3  }
0x29: {  	v0 =	vadd.f32 v5, v0;
	v3 =	vmul.f32 v3, v1  }
0x2a: {  	v1 =	vadd.f32 v1, v2  }
0x2b: {  	s12 =	sadd.s32 $0x1, s12;
	v0 =	vadd.f32 v3, v0  }
0x2c: {  	p0 =	sne.s32 s12, s7;
	[tilespmem:$0x6C80] =	vst v1  }
.Ltmp1:
0x2d: {  	[tilespmem:$0x6C00] =	vst v0;
	(pc) =	sbr.rel @p0 .LBB2_1-.Ltmp1, $4  }
0x2e: {  	[hbm4b:s6+s2] =	stream.linear.scatter [tilespmem:s11], [sflag:$0x1], $0x100, $0x38;
	[tilespmem:$0x6D00] =	vst v63  }
0x2f: {  	_ =	swait.ge [sflag:s8], $0x100  }
0x30: {  	[sflag:s8] =	ssyncset.done $0x0  }
0x31: {  	[sflag:s8] =	ssyncadd.s32 $0xFFFFFF00  }
0x32: {  	_ =	sfence.sel $0x180000  }
0x33: {  	[bflag:$0x0] =	sbarrier.arrive $0xFFFF  }
0x34: {  	p0 =	sne.s32 s0, $0x0;
	_ =	strace $0x90000047  }
0x35: {  	s0 =	sadd.s32 @!p0 $0x100000, s1;
	[bflag:$0x2] =	sbarrier.arrive $0xFFFF  }
0x36: {  	[sflag:s0] =	ssyncadd.tile.s32 @!p0 $0x1;
	_ =	shalt  }
.Lfunc_end2:
_tile_overlayer_lowered:
.L_overlay_start_2:
0x37: {  	(tag) =	ssettag $0x2  }
0x38: {  	s0 =	rddreg [dreg:$0x0];
	s2 =	stileid.u32  }
0x39: {  	s1 =	rddreg [dreg:$0x1];
	p0 =	sne.s32 s2, $0x0  }
0x3a: {  	s3 =	rddreg [dreg:$0x2];
	[bflag:$0x3] =	sbarrier.arrive $0xFFFF;
	s2 =	simm.s32 @!p0 $0x1C01  }
0x3b: {  	[timem:s3], [sflag:s2] =	dma.local @!p0 [hbm:s0], s1  }
0x3c: {  	s0 =	simm.s32 @!p0 $0x1  }
0x3d: {  	_ =	swait.ge @!p0 [sflag:s0], s1  }
0x3e: {  	s1 =	ssub.s32 @!p0 $0x0, s1;
	[sflag:s0] =	ssyncset.done @!p0 $0x0  }
0x3f: {  	[sflag:s0] =	ssyncadd.s32 @!p0 s1  }
0x40: {  	[bflag:$0x3] =	sbarrier.arrive $0xFFFF  }
0x41: {  	_ =	shalt  }

</sc_bundles>
